<compile_context>
chip_gen: v7x
topology: tpu7x:2x2x1
jax: 0.10.2.dev20260603
libtpu: 0.0.44.dev20260713+nightly
codegen_flags: <defaults>
</compile_context>

<pallas_src>
import jax
import jax.numpy as jnp
from jax import lax
from jax.experimental import pallas as pl
from jax.experimental.pallas import tpu as pltpu
from jax.experimental.pallas import tpu_sc as plsc

B = 16384
D = 32
NUM_ROWS = 1000000
NC = 2
NS = 16
NW = NC * NS
BPW = B // NW
CHUNK = 128
NCHUNK = BPW // CHUNK
GROUPS = BPW // 16


def _body(u_id_hbm, i_id_hbm, user_emb_hbm, bias_all_hbm, item_emb_hbm,
          mean_hbm, out_hbm,
          uid_v, iid_v, ibias_v, urow_v, irow_v, ub_v, ib_v, out_v, mean_v,
          sem):
  wid = lax.axis_index("s") * NC + lax.axis_index("c")
  base = wid * BPW

  pltpu.sync_copy(u_id_hbm.at[pl.ds(base, BPW)], uid_v)
  pltpu.sync_copy(i_id_hbm.at[pl.ds(base, BPW)], iid_v)
  pltpu.sync_copy(mean_hbm, mean_v)
  def bias_idx_body(k, c):
    ibias_v[pl.ds(k * 16, 16)] = iid_v[pl.ds(k * 16, 16)] + NUM_ROWS
    return c
  lax.fori_loop(0, BPW // 16, bias_idx_body, 0)

  copies = []
  for c in range(NCHUNK):
    s = pl.ds(c * CHUNK, CHUNK)
    copies.append(pltpu.make_async_copy(
        user_emb_hbm.at[uid_v.at[s]], urow_v.at[s, :], sem))
    copies.append(pltpu.make_async_copy(
        item_emb_hbm.at[iid_v.at[s]], irow_v.at[s, :], sem))
    copies.append(pltpu.make_async_copy(
        bias_all_hbm.at[uid_v.at[s]], ub_v.at[s], sem))
    copies.append(pltpu.make_async_copy(
        bias_all_hbm.at[ibias_v.at[s]], ib_v.at[s], sem))
  for cp in copies:
    cp.start()
  for cp in copies:
    cp.wait()

  lanes = lax.iota(jnp.int32, 16)
  zeros = jnp.zeros((16,), jnp.int32)
  mean16 = mean_v[...]

  def group_body(g, carry):
    rows = g * 16 + lanes
    acc = mean16
    acc = acc + ub_v[pl.ds(g * 16, 16)]
    acc = acc + ib_v[pl.ds(g * 16, 16)]
    for d in range(D):
      col = jnp.full((16,), d, jnp.int32)
      u = plsc.load_gather(urow_v, [rows, col])
      i = plsc.load_gather(irow_v, [rows, col])
      acc = acc + u * i
    out_v[pl.ds(g * 16, 16)] = acc
    return carry

  lax.fori_loop(0, GROUPS, group_body, 0)

  pltpu.sync_copy(out_v, out_hbm.at[pl.ds(base, BPW)])


@jax.jit
def kernel(u_id, i_id, user_emb, user_bias, item_emb, item_bias, mean):
  mesh = plsc.VectorSubcoreMesh(core_axis_name="c", subcore_axis_name="s")
  f = pl.kernel(
      _body,
      out_type=jax.ShapeDtypeStruct((B,), jnp.float32),
      mesh=mesh,
      scratch_types=[
          pltpu.VMEM((BPW,), jnp.int32),
          pltpu.VMEM((BPW,), jnp.int32),
          pltpu.VMEM((BPW,), jnp.int32),
          pltpu.VMEM((BPW, D), jnp.float32),
          pltpu.VMEM((BPW, D), jnp.float32),
          pltpu.VMEM((BPW,), jnp.float32),
          pltpu.VMEM((BPW,), jnp.float32),
          pltpu.VMEM((BPW,), jnp.float32),
          pltpu.VMEM((16,), jnp.float32),
          pltpu.SemaphoreType.DMA,
      ],
      compiler_params=pltpu.CompilerParams(
          needs_layout_passes=False, use_tc_tiling_on_sc=False),
  )
  mean16 = jnp.broadcast_to(mean.astype(jnp.float32), (16,))
  bias_all = jnp.concatenate([user_bias.reshape(-1), item_bias.reshape(-1)])
  return f(u_id, i_id, user_emb, bias_all, item_emb, mean16)

# --- scband reference (transcript-rebuilt; emitter-appended) ---
"""Pipeline reference for scband-ips-mf-18116172054752 (READ-ONLY COPY).

The authoritative reference and input builder live on the scoring server;
editing this copy changes nothing except your own understanding.
"""

import jax, jax.numpy as jnp
import numpy as np

NUM_USERS = 1000000
NUM_ITEMS = 1000000
D = 32
B = 16384


def setup_inputs(seed: int = 0) -> dict:
    key = jax.random.key(seed)
    ks = jax.random.split(key, 7)
    u_id = jax.random.randint(ks[0], (B,), 0, NUM_USERS)
    i_id = jax.random.randint(ks[1], (B,), 0, NUM_ITEMS)
    user_emb = jax.random.uniform(ks[2], (NUM_USERS, D), minval=-0.01, maxval=0.01, dtype=jnp.float32)
    user_bias = jax.random.uniform(ks[3], (NUM_USERS, 1), minval=-0.01, maxval=0.01, dtype=jnp.float32)
    item_emb = jax.random.uniform(ks[4], (NUM_ITEMS, D), minval=-0.01, maxval=0.01, dtype=jnp.float32)
    item_bias = jax.random.uniform(ks[5], (NUM_ITEMS, 1), minval=-0.01, maxval=0.01, dtype=jnp.float32)
    mean = jnp.zeros((1,), dtype=jnp.float32)
    return {
        "u_id": u_id,
        "i_id": i_id,
        "user_emb": user_emb,
        "user_bias": user_bias,
        "item_emb": item_emb,
        "item_bias": item_bias,
        "mean": mean,
    }


def reference(u_id, i_id, user_emb, user_bias, item_emb, item_bias, mean):
    U = jnp.take(user_emb, u_id, axis=0)
    b_u = jnp.take(user_bias, u_id, axis=0).squeeze()
    I = jnp.take(item_emb, i_id, axis=0)
    b_i = jnp.take(item_bias, i_id, axis=0).squeeze()
    return (U * I).sum(1) + b_u + b_i + mean

if __name__ == "__main__":
    import jax
    _d = setup_inputs()
    print(jax.jit(kernel)(*tuple(_d.values())))

</pallas_src>

<mosaic_0001>
#map = affine_map<(d0, d1) -> (0)>
#map1 = affine_map<(d0, d1) -> (0, 0)>
module attributes {stable_mosaic.version = 14 : i64} {
  func.func @_body(%arg0: i32, %arg1: i32, %arg2: memref<16384xi32, #tpu.memory_space<hbm>>, %arg3: memref<16384xi32, #tpu.memory_space<hbm>>, %arg4: memref<1000000x32xf32, #tpu.memory_space<hbm>>, %arg5: memref<2000000xf32, #tpu.memory_space<hbm>>, %arg6: memref<1000000x32xf32, #tpu.memory_space<hbm>>, %arg7: memref<16xf32, #tpu.memory_space<hbm>>, %arg8: memref<16384xf32, #tpu.memory_space<hbm>>, %arg9: memref<512xi32, #tpu.memory_space<vmem>>, %arg10: memref<512xi32, #tpu.memory_space<vmem>>, %arg11: memref<512xi32, #tpu.memory_space<vmem>>, %arg12: memref<512x32xf32, #tpu.memory_space<vmem>>, %arg13: memref<512x32xf32, #tpu.memory_space<vmem>>, %arg14: memref<512xf32, #tpu.memory_space<vmem>>, %arg15: memref<512xf32, #tpu.memory_space<vmem>>, %arg16: memref<512xf32, #tpu.memory_space<vmem>>, %arg17: memref<16xf32, #tpu.memory_space<vmem>>, %arg18: memref<!tpu.dma_semaphore, #tpu.memory_space<semaphore_mem>>) attributes {dimension_semantics = [#tpu.dimension_semantics<core_parallel>, #tpu.dimension_semantics<subcore_parallel>], iteration_bounds = array<i64: 2, 16>, scalar_prefetch = 0 : i64, scratch_operands = 10 : i64, tpu.core_type = #tpu.core_type<sc_vector_subcore>, window_params = [{transform_indices = #map}, {transform_indices = #map}, {transform_indices = #map1}, {transform_indices = #map}, {transform_indices = #map1}, {transform_indices = #map}, {transform_indices = #map}]} {
    %mul3A = arith.constant 2 : i32
    %mul3A_0 = arith.muli %arg1, %mul3A : i32
    %add3A = arith.addi %mul3A_0, %arg0 : i32
    %mul3A_1 = arith.constant 512 : i32
    %mul3A_2 = arith.muli %add3A, %mul3A_1 : i32
    "tpu.region"() ({
      %run_scoped3A = tpu.sem_alloc : memref<!tpu.dma_semaphore, #tpu.memory_space<semaphore_mem>>
      %dma_start3A_238 = tpu.memref_slice %arg2[%mul3A_2] : memref<16384xi32, #tpu.memory_space<hbm>> -> memref<512xi32, #tpu.memory_space<hbm>>
      %dma_start3A_239 = tpu.memref_slice %arg2[%mul3A_2] : memref<16384xi32, #tpu.memory_space<hbm>> -> memref<512xi32, #tpu.memory_space<hbm>>
      tpu.enqueue_dma source(%dma_start3A_239 : memref<512xi32, #tpu.memory_space<hbm>>) target(%arg9 : memref<512xi32, #tpu.memory_space<vmem>>) target_semaphore(%run_scoped3A : memref<!tpu.dma_semaphore, #tpu.memory_space<semaphore_mem>>)
      %dma_wait3A_240 = tpu.memref_slice %arg2[%mul3A_2] : memref<16384xi32, #tpu.memory_space<hbm>> -> memref<512xi32, #tpu.memory_space<hbm>>
      %dma_wait3A_241 = tpu.memref_slice %arg2[%mul3A_2] : memref<16384xi32, #tpu.memory_space<hbm>> -> memref<512xi32, #tpu.memory_space<hbm>>
      tpu.wait_dma2 semaphore(%run_scoped3A : memref<!tpu.dma_semaphore, #tpu.memory_space<semaphore_mem>>) src(%dma_wait3A_241 : memref<512xi32, #tpu.memory_space<hbm>>) dst(%arg9 : memref<512xi32, #tpu.memory_space<vmem>>)
      tpu.yield
    }) : () -> ()
    "tpu.region"() ({
      %run_scoped3A = tpu.sem_alloc : memref<!tpu.dma_semaphore, #tpu.memory_space<semaphore_mem>>
      %dma_start3A_238 = tpu.memref_slice %arg3[%mul3A_2] : memref<16384xi32, #tpu.memory_space<hbm>> -> memref<512xi32, #tpu.memory_space<hbm>>
      %dma_start3A_239 = tpu.memref_slice %arg3[%mul3A_2] : memref<16384xi32, #tpu.memory_space<hbm>> -> memref<512xi32, #tpu.memory_space<hbm>>
      tpu.enqueue_dma source(%dma_start3A_239 : memref<512xi32, #tpu.memory_space<hbm>>) target(%arg10 : memref<512xi32, #tpu.memory_space<vmem>>) target_semaphore(%run_scoped3A : memref<!tpu.dma_semaphore, #tpu.memory_space<semaphore_mem>>)
      %dma_wait3A_240 = tpu.memref_slice %arg3[%mul3A_2] : memref<16384xi32, #tpu.memory_space<hbm>> -> memref<512xi32, #tpu.memory_space<hbm>>
      %dma_wait3A_241 = tpu.memref_slice %arg3[%mul3A_2] : memref<16384xi32, #tpu.memory_space<hbm>> -> memref<512xi32, #tpu.memory_space<hbm>>
      tpu.wait_dma2 semaphore(%run_scoped3A : memref<!tpu.dma_semaphore, #tpu.memory_space<semaphore_mem>>) src(%dma_wait3A_241 : memref<512xi32, #tpu.memory_space<hbm>>) dst(%arg10 : memref<512xi32, #tpu.memory_space<vmem>>)
      tpu.yield
    }) : () -> ()
    "tpu.region"() ({
      %run_scoped3A = tpu.sem_alloc : memref<!tpu.dma_semaphore, #tpu.memory_space<semaphore_mem>>
      tpu.enqueue_dma source(%arg7 : memref<16xf32, #tpu.memory_space<hbm>>) target(%arg17 : memref<16xf32, #tpu.memory_space<vmem>>) target_semaphore(%run_scoped3A : memref<!tpu.dma_semaphore, #tpu.memory_space<semaphore_mem>>)
      tpu.wait_dma2 semaphore(%run_scoped3A : memref<!tpu.dma_semaphore, #tpu.memory_space<semaphore_mem>>) src(%arg7 : memref<16xf32, #tpu.memory_space<hbm>>) dst(%arg17 : memref<16xf32, #tpu.memory_space<vmem>>)
      tpu.yield
    }) : () -> ()
    %scan3A = arith.constant 0 : i32
    %scan3A_3 = arith.constant 0 : i32
    %scan3A_4 = arith.constant 32 : i32
    %scan3A_5 = arith.addi %scan3A_3, %scan3A_4 : i32
    %scan3A_6 = arith.constant 1 : i32
    scf.for %scan3A_238 = %scan3A_3 to %scan3A_5 step %scan3A_6  : i32 {
      %mul3A_239 = arith.constant 16 : i32
      %mul3A_240 = arith.muli %scan3A_238, %mul3A_239 : i32
      %get3A_241 = arith.index_cast %mul3A_240 : i32 to index
      %get3A_242 = tpu.vector_load %arg10[%get3A_241] {strides = array<i32>} : memref<512xi32, #tpu.memory_space<vmem>>, vector<16xi32>,
      %add3A_243 = arith.constant 1000000 : i32
      %add3A_244 = vector.broadcast %add3A_243 : i32 to vector<16xi32>
      %add3A_245 = arith.addi %get3A_242, %add3A_244 : vector<16xi32>
      %mul3A_246 = arith.constant 16 : i32
      %mul3A_247 = arith.muli %scan3A_238, %mul3A_246 : i32
      %swap3A = arith.index_cast %mul3A_247 : i32 to index
      %swap3A_248 = tpu.vector_load %arg11[%swap3A] {strides = array<i32>} : memref<512xi32, #tpu.memory_space<vmem>>, vector<16xi32>,
      tpu.vector_store %arg11[%swap3A], %add3A_245 {strides = array<i32>} : memref<512xi32, #tpu.memory_space<vmem>>, vector<16xi32>,
    }
    %scan3A_7 = arith.constant 32 : i32
    %dma_start3A = arith.constant 0 : i32
    %dma_start3A_8 = arith.constant 0 : i32
    %dma_start3A_9 = tpu.memref_slice %arg12[%dma_start3A, %dma_start3A_8] : memref<512x32xf32, #tpu.memory_space<vmem>> -> memref<128x32xf32, #tpu.memory_space<vmem>>
    %dma_start3A_10 = arith.constant 0 : i32
    %dma_start3A_11 = tpu.memref_slice %arg9[%dma_start3A_10] : memref<512xi32, #tpu.memory_space<vmem>> -> memref<128xi32, #tpu.memory_space<vmem>>
    %dma_start3A_12 = arith.constant 0 : i32
    %dma_start3A_13 = arith.constant 0 : i32
    %dma_start3A_14 = tpu.memref_slice %arg4[%dma_start3A_12, %dma_start3A_13] : memref<1000000x32xf32, #tpu.memory_space<hbm>> -> memref<1000000x32xf32, #tpu.memory_space<hbm>>
    tpu.enqueue_indirect_dma source(%dma_start3A_14 : memref<1000000x32xf32, #tpu.memory_space<hbm>>) target(%dma_start3A_9 : memref<128x32xf32, #tpu.memory_space<vmem>>) offsets(%dma_start3A_11 : memref<128xi32, #tpu.memory_space<vmem>>) semaphore(%arg18 : memref<!tpu.dma_semaphore, #tpu.memory_space<semaphore_mem>>)
    %dma_start3A_15 = arith.constant 0 : i32
    %dma_start3A_16 = arith.constant 0 : i32
    %dma_start3A_17 = tpu.memref_slice %arg13[%dma_start3A_15, %dma_start3A_16] : memref<512x32xf32, #tpu.memory_space<vmem>> -> memref<128x32xf32, #tpu.memory_space<vmem>>
    %dma_start3A_18 = arith.constant 0 : i32
    %dma_start3A_19 = tpu.memref_slice %arg10[%dma_start3A_18] : memref<512xi32, #tpu.memory_space<vmem>> -> memref<128xi32, #tpu.memory_space<vmem>>
    %dma_start3A_20 = arith.constant 0 : i32
    %dma_start3A_21 = arith.constant 0 : i32
    %dma_start3A_22 = tpu.memref_slice %arg6[%dma_start3A_20, %dma_start3A_21] : memref<1000000x32xf32, #tpu.memory_space<hbm>> -> memref<1000000x32xf32, #tpu.memory_space<hbm>>
    tpu.enqueue_indirect_dma source(%dma_start3A_22 : memref<1000000x32xf32, #tpu.memory_space<hbm>>) target(%dma_start3A_17 : memref<128x32xf32, #tpu.memory_space<vmem>>) offsets(%dma_start3A_19 : memref<128xi32, #tpu.memory_space<vmem>>) semaphore(%arg18 : memref<!tpu.dma_semaphore, #tpu.memory_space<semaphore_mem>>)
    %dma_start3A_23 = arith.constant 0 : i32
    %dma_start3A_24 = tpu.memref_slice %arg14[%dma_start3A_23] : memref<512xf32, #tpu.memory_space<vmem>> -> memref<128xf32, #tpu.memory_space<vmem>>
    %dma_start3A_25 = arith.constant 0 : i32
    %dma_start3A_26 = tpu.memref_slice %arg9[%dma_start3A_25] : memref<512xi32, #tpu.memory_space<vmem>> -> memref<128xi32, #tpu.memory_space<vmem>>
    %dma_start3A_27 = arith.constant 0 : i32
    %dma_start3A_28 = tpu.memref_slice %arg5[%dma_start3A_27] : memref<2000000xf32, #tpu.memory_space<hbm>> -> memref<2000000xf32, #tpu.memory_space<hbm>>
    tpu.enqueue_indirect_dma source(%dma_start3A_28 : memref<2000000xf32, #tpu.memory_space<hbm>>) target(%dma_start3A_24 : memref<128xf32, #tpu.memory_space<vmem>>) offsets(%dma_start3A_26 : memref<128xi32, #tpu.memory_space<vmem>>) semaphore(%arg18 : memref<!tpu.dma_semaphore, #tpu.memory_space<semaphore_mem>>)
    %dma_start3A_29 = arith.constant 0 : i32
    %dma_start3A_30 = tpu.memref_slice %arg15[%dma_start3A_29] : memref<512xf32, #tpu.memory_space<vmem>> -> memref<128xf32, #tpu.memory_space<vmem>>
    %dma_start3A_31 = arith.constant 0 : i32
    %dma_start3A_32 = tpu.memref_slice %arg11[%dma_start3A_31] : memref<512xi32, #tpu.memory_space<vmem>> -> memref<128xi32, #tpu.memory_space<vmem>>
    %dma_start3A_33 = arith.constant 0 : i32
    %dma_start3A_34 = tpu.memref_slice %arg5[%dma_start3A_33] : memref<2000000xf32, #tpu.memory_space<hbm>> -> memref<2000000xf32, #tpu.memory_space<hbm>>
    tpu.enqueue_indirect_dma source(%dma_start3A_34 : memref<2000000xf32, #tpu.memory_space<hbm>>) target(%dma_start3A_30 : memref<128xf32, #tpu.memory_space<vmem>>) offsets(%dma_start3A_32 : memref<128xi32, #tpu.memory_space<vmem>>) semaphore(%arg18 : memref<!tpu.dma_semaphore, #tpu.memory_space<semaphore_mem>>)
    %dma_start3A_35 = arith.constant 128 : i32
    %dma_start3A_36 = arith.constant 0 : i32
    %dma_start3A_37 = tpu.memref_slice %arg12[%dma_start3A_35, %dma_start3A_36] : memref<512x32xf32, #tpu.memory_space<vmem>> -> memref<128x32xf32, #tpu.memory_space<vmem>>
    %dma_start3A_38 = arith.constant 128 : i32
    %dma_start3A_39 = tpu.memref_slice %arg9[%dma_start3A_38] : memref<512xi32, #tpu.memory_space<vmem>> -> memref<128xi32, #tpu.memory_space<vmem>>
    %dma_start3A_40 = arith.constant 0 : i32
    %dma_start3A_41 = arith.constant 0 : i32
    %dma_start3A_42 = tpu.memref_slice %arg4[%dma_start3A_40, %dma_start3A_41] : memref<1000000x32xf32, #tpu.memory_space<hbm>> -> memref<1000000x32xf32, #tpu.memory_space<hbm>>
    tpu.enqueue_indirect_dma source(%dma_start3A_42 : memref<1000000x32xf32, #tpu.memory_space<hbm>>) target(%dma_start3A_37 : memref<128x32xf32, #tpu.memory_space<vmem>>) offsets(%dma_start3A_39 : memref<128xi32, #tpu.memory_space<vmem>>) semaphore(%arg18 : memref<!tpu.dma_semaphore, #tpu.memory_space<semaphore_mem>>)
    %dma_start3A_43 = arith.constant 128 : i32
    %dma_start3A_44 = arith.constant 0 : i32
    %dma_start3A_45 = tpu.memref_slice %arg13[%dma_start3A_43, %dma_start3A_44] : memref<512x32xf32, #tpu.memory_space<vmem>> -> memref<128x32xf32, #tpu.memory_space<vmem>>
    %dma_start3A_46 = arith.constant 128 : i32
    %dma_start3A_47 = tpu.memref_slice %arg10[%dma_start3A_46] : memref<512xi32, #tpu.memory_space<vmem>> -> memref<128xi32, #tpu.memory_space<vmem>>
    %dma_start3A_48 = arith.constant 0 : i32
    %dma_start3A_49 = arith.constant 0 : i32
    %dma_start3A_50 = tpu.memref_slice %arg6[%dma_start3A_48, %dma_start3A_49] : memref<1000000x32xf32, #tpu.memory_space<hbm>> -> memref<1000000x32xf32, #tpu.memory_space<hbm>>
    tpu.enqueue_indirect_dma source(%dma_start3A_50 : memref<1000000x32xf32, #tpu.memory_space<hbm>>) target(%dma_start3A_45 : memref<128x32xf32, #tpu.memory_space<vmem>>) offsets(%dma_start3A_47 : memref<128xi32, #tpu.memory_space<vmem>>) semaphore(%arg18 : memref<!tpu.dma_semaphore, #tpu.memory_space<semaphore_mem>>)
    %dma_start3A_51 = arith.constant 128 : i32
    %dma_start3A_52 = tpu.memref_slice %arg14[%dma_start3A_51] : memref<512xf32, #tpu.memory_space<vmem>> -> memref<128xf32, #tpu.memory_space<vmem>>
    %dma_start3A_53 = arith.constant 128 : i32
    %dma_start3A_54 = tpu.memref_slice %arg9[%dma_start3A_53] : memref<512xi32, #tpu.memory_space<vmem>> -> memref<128xi32, #tpu.memory_space<vmem>>
    %dma_start3A_55 = arith.constant 0 : i32
    %dma_start3A_56 = tpu.memref_slice %arg5[%dma_start3A_55] : memref<2000000xf32, #tpu.memory_space<hbm>> -> memref<2000000xf32, #tpu.memory_space<hbm>>
    tpu.enqueue_indirect_dma source(%dma_start3A_56 : memref<2000000xf32, #tpu.memory_space<hbm>>) target(%dma_start3A_52 : memref<128xf32, #tpu.memory_space<vmem>>) offsets(%dma_start3A_54 : memref<128xi32, #tpu.memory_space<vmem>>) semaphore(%arg18 : memref<!tpu.dma_semaphore, #tpu.memory_space<semaphore_mem>>)
    %dma_start3A_57 = arith.constant 128 : i32
    %dma_start3A_58 = tpu.memref_slice %arg15[%dma_start3A_57] : memref<512xf32, #tpu.memory_space<vmem>> -> memref<128xf32, #tpu.memory_space<vmem>>
    %dma_start3A_59 = arith.constant 128 : i32
    %dma_start3A_60 = tpu.memref_slice %arg11[%dma_start3A_59] : memref<512xi32, #tpu.memory_space<vmem>> -> memref<128xi32, #tpu.memory_space<vmem>>
    %dma_start3A_61 = arith.constant 0 : i32
    %dma_start3A_62 = tpu.memref_slice %arg5[%dma_start3A_61] : memref<2000000xf32, #tpu.memory_space<hbm>> -> memref<2000000xf32, #tpu.memory_space<hbm>>
    tpu.enqueue_indirect_dma source(%dma_start3A_62 : memref<2000000xf32, #tpu.memory_space<hbm>>) target(%dma_start3A_58 : memref<128xf32, #tpu.memory_space<vmem>>) offsets(%dma_start3A_60 : memref<128xi32, #tpu.memory_space<vmem>>) semaphore(%arg18 : memref<!tpu.dma_semaphore, #tpu.memory_space<semaphore_mem>>)
    %dma_start3A_63 = arith.constant 256 : i32
    %dma_start3A_64 = arith.constant 0 : i32
    %dma_start3A_65 = tpu.memref_slice %arg12[%dma_start3A_63, %dma_start3A_64] : memref<512x32xf32, #tpu.memory_space<vmem>> -> memref<128x32xf32, #tpu.memory_space<vmem>>
    %dma_start3A_66 = arith.constant 256 : i32
    %dma_start3A_67 = tpu.memref_slice %arg9[%dma_start3A_66] : memref<512xi32, #tpu.memory_space<vmem>> -> memref<128xi32, #tpu.memory_space<vmem>>
    %dma_start3A_68 = arith.constant 0 : i32
    %dma_start3A_69 = arith.constant 0 : i32
    %dma_start3A_70 = tpu.memref_slice %arg4[%dma_start3A_68, %dma_start3A_69] : memref<1000000x32xf32, #tpu.memory_space<hbm>> -> memref<1000000x32xf32, #tpu.memory_space<hbm>>
    tpu.enqueue_indirect_dma source(%dma_start3A_70 : memref<1000000x32xf32, #tpu.memory_space<hbm>>) target(%dma_start3A_65 : memref<128x32xf32, #tpu.memory_space<vmem>>) offsets(%dma_start3A_67 : memref<128xi32, #tpu.memory_space<vmem>>) semaphore(%arg18 : memref<!tpu.dma_semaphore, #tpu.memory_space<semaphore_mem>>)
    %dma_start3A_71 = arith.constant 256 : i32
    %dma_start3A_72 = arith.constant 0 : i32
    %dma_start3A_73 = tpu.memref_slice %arg13[%dma_start3A_71, %dma_start3A_72] : memref<512x32xf32, #tpu.memory_space<vmem>> -> memref<128x32xf32, #tpu.memory_space<vmem>>
    %dma_start3A_74 = arith.constant 256 : i32
    %dma_start3A_75 = tpu.memref_slice %arg10[%dma_start3A_74] : memref<512xi32, #tpu.memory_space<vmem>> -> memref<128xi32, #tpu.memory_space<vmem>>
    %dma_start3A_76 = arith.constant 0 : i32
    %dma_start3A_77 = arith.constant 0 : i32
    %dma_start3A_78 = tpu.memref_slice %arg6[%dma_start3A_76, %dma_start3A_77] : memref<1000000x32xf32, #tpu.memory_space<hbm>> -> memref<1000000x32xf32, #tpu.memory_space<hbm>>
    tpu.enqueue_indirect_dma source(%dma_start3A_78 : memref<1000000x32xf32, #tpu.memory_space<hbm>>) target(%dma_start3A_73 : memref<128x32xf32, #tpu.memory_space<vmem>>) offsets(%dma_start3A_75 : memref<128xi32, #tpu.memory_space<vmem>>) semaphore(%arg18 : memref<!tpu.dma_semaphore, #tpu.memory_space<semaphore_mem>>)
    %dma_start3A_79 = arith.constant 256 : i32
    %dma_start3A_80 = tpu.memref_slice %arg14[%dma_start3A_79] : memref<512xf32, #tpu.memory_space<vmem>> -> memref<128xf32, #tpu.memory_space<vmem>>
    %dma_start3A_81 = arith.constant 256 : i32
    %dma_start3A_82 = tpu.memref_slice %arg9[%dma_start3A_81] : memref<512xi32, #tpu.memory_space<vmem>> -> memref<128xi32, #tpu.memory_space<vmem>>
    %dma_start3A_83 = arith.constant 0 : i32
    %dma_start3A_84 = tpu.memref_slice %arg5[%dma_start3A_83] : memref<2000000xf32, #tpu.memory_space<hbm>> -> memref<2000000xf32, #tpu.memory_space<hbm>>
    tpu.enqueue_indirect_dma source(%dma_start3A_84 : memref<2000000xf32, #tpu.memory_space<hbm>>) target(%dma_start3A_80 : memref<128xf32, #tpu.memory_space<vmem>>) offsets(%dma_start3A_82 : memref<128xi32, #tpu.memory_space<vmem>>) semaphore(%arg18 : memref<!tpu.dma_semaphore, #tpu.memory_space<semaphore_mem>>)
    %dma_start3A_85 = arith.constant 256 : i32
    %dma_start3A_86 = tpu.memref_slice %arg15[%dma_start3A_85] : memref<512xf32, #tpu.memory_space<vmem>> -> memref<128xf32, #tpu.memory_space<vmem>>
    %dma_start3A_87 = arith.constant 256 : i32
    %dma_start3A_88 = tpu.memref_slice %arg11[%dma_start3A_87] : memref<512xi32, #tpu.memory_space<vmem>> -> memref<128xi32, #tpu.memory_space<vmem>>
    %dma_start3A_89 = arith.constant 0 : i32
    %dma_start3A_90 = tpu.memref_slice %arg5[%dma_start3A_89] : memref<2000000xf32, #tpu.memory_space<hbm>> -> memref<2000000xf32, #tpu.memory_space<hbm>>
    tpu.enqueue_indirect_dma source(%dma_start3A_90 : memref<2000000xf32, #tpu.memory_space<hbm>>) target(%dma_start3A_86 : memref<128xf32, #tpu.memory_space<vmem>>) offsets(%dma_start3A_88 : memref<128xi32, #tpu.memory_space<vmem>>) semaphore(%arg18 : memref<!tpu.dma_semaphore, #tpu.memory_space<semaphore_mem>>)
    %dma_start3A_91 = arith.constant 384 : i32
    %dma_start3A_92 = arith.constant 0 : i32
    %dma_start3A_93 = tpu.memref_slice %arg12[%dma_start3A_91, %dma_start3A_92] : memref<512x32xf32, #tpu.memory_space<vmem>> -> memref<128x32xf32, #tpu.memory_space<vmem>>
    %dma_start3A_94 = arith.constant 384 : i32
    %dma_start3A_95 = tpu.memref_slice %arg9[%dma_start3A_94] : memref<512xi32, #tpu.memory_space<vmem>> -> memref<128xi32, #tpu.memory_space<vmem>>
    %dma_start3A_96 = arith.constant 0 : i32
    %dma_start3A_97 = arith.constant 0 : i32
    %dma_start3A_98 = tpu.memref_slice %arg4[%dma_start3A_96, %dma_start3A_97] : memref<1000000x32xf32, #tpu.memory_space<hbm>> -> memref<1000000x32xf32, #tpu.memory_space<hbm>>
    tpu.enqueue_indirect_dma source(%dma_start3A_98 : memref<1000000x32xf32, #tpu.memory_space<hbm>>) target(%dma_start3A_93 : memref<128x32xf32, #tpu.memory_space<vmem>>) offsets(%dma_start3A_95 : memref<128xi32, #tpu.memory_space<vmem>>) semaphore(%arg18 : memref<!tpu.dma_semaphore, #tpu.memory_space<semaphore_mem>>)
    %dma_start3A_99 = arith.constant 384 : i32
    %dma_start3A_100 = arith.constant 0 : i32
    %dma_start3A_101 = tpu.memref_slice %arg13[%dma_start3A_99, %dma_start3A_100] : memref<512x32xf32, #tpu.memory_space<vmem>> -> memref<128x32xf32, #tpu.memory_space<vmem>>
    %dma_start3A_102 = arith.constant 384 : i32
    %dma_start3A_103 = tpu.memref_slice %arg10[%dma_start3A_102] : memref<512xi32, #tpu.memory_space<vmem>> -> memref<128xi32, #tpu.memory_space<vmem>>
    %dma_start3A_104 = arith.constant 0 : i32
    %dma_start3A_105 = arith.constant 0 : i32
    %dma_start3A_106 = tpu.memref_slice %arg6[%dma_start3A_104, %dma_start3A_105] : memref<1000000x32xf32, #tpu.memory_space<hbm>> -> memref<1000000x32xf32, #tpu.memory_space<hbm>>
    tpu.enqueue_indirect_dma source(%dma_start3A_106 : memref<1000000x32xf32, #tpu.memory_space<hbm>>) target(%dma_start3A_101 : memref<128x32xf32, #tpu.memory_space<vmem>>) offsets(%dma_start3A_103 : memref<128xi32, #tpu.memory_space<vmem>>) semaphore(%arg18 : memref<!tpu.dma_semaphore, #tpu.memory_space<semaphore_mem>>)
    %dma_start3A_107 = arith.constant 384 : i32
    %dma_start3A_108 = tpu.memref_slice %arg14[%dma_start3A_107] : memref<512xf32, #tpu.memory_space<vmem>> -> memref<128xf32, #tpu.memory_space<vmem>>
    %dma_start3A_109 = arith.constant 384 : i32
    %dma_start3A_110 = tpu.memref_slice %arg9[%dma_start3A_109] : memref<512xi32, #tpu.memory_space<vmem>> -> memref<128xi32, #tpu.memory_space<vmem>>
    %dma_start3A_111 = arith.constant 0 : i32
    %dma_start3A_112 = tpu.memref_slice %arg5[%dma_start3A_111] : memref<2000000xf32, #tpu.memory_space<hbm>> -> memref<2000000xf32, #tpu.memory_space<hbm>>
    tpu.enqueue_indirect_dma source(%dma_start3A_112 : memref<2000000xf32, #tpu.memory_space<hbm>>) target(%dma_start3A_108 : memref<128xf32, #tpu.memory_space<vmem>>) offsets(%dma_start3A_110 : memref<128xi32, #tpu.memory_space<vmem>>) semaphore(%arg18 : memref<!tpu.dma_semaphore, #tpu.memory_space<semaphore_mem>>)
    %dma_start3A_113 = arith.constant 384 : i32
    %dma_start3A_114 = tpu.memref_slice %arg15[%dma_start3A_113] : memref<512xf32, #tpu.memory_space<vmem>> -> memref<128xf32, #tpu.memory_space<vmem>>
    %dma_start3A_115 = arith.constant 384 : i32
    %dma_start3A_116 = tpu.memref_slice %arg11[%dma_start3A_115] : memref<512xi32, #tpu.memory_space<vmem>> -> memref<128xi32, #tpu.memory_space<vmem>>
    %dma_start3A_117 = arith.constant 0 : i32
    %dma_start3A_118 = tpu.memref_slice %arg5[%dma_start3A_117] : memref<2000000xf32, #tpu.memory_space<hbm>> -> memref<2000000xf32, #tpu.memory_space<hbm>>
    tpu.enqueue_indirect_dma source(%dma_start3A_118 : memref<2000000xf32, #tpu.memory_space<hbm>>) target(%dma_start3A_114 : memref<128xf32, #tpu.memory_space<vmem>>) offsets(%dma_start3A_116 : memref<128xi32, #tpu.memory_space<vmem>>) semaphore(%arg18 : memref<!tpu.dma_semaphore, #tpu.memory_space<semaphore_mem>>)
    %dma_wait3A = arith.constant 0 : i32
    %dma_wait3A_119 = arith.constant 0 : i32
    %dma_wait3A_120 = tpu.memref_slice %arg12[%dma_wait3A, %dma_wait3A_119] : memref<512x32xf32, #tpu.memory_space<vmem>> -> memref<128x32xf32, #tpu.memory_space<vmem>>
    %dma_wait3A_121 = arith.constant 0 : i32
    %dma_wait3A_122 = tpu.memref_slice %arg9[%dma_wait3A_121] : memref<512xi32, #tpu.memory_space<vmem>> -> memref<128xi32, #tpu.memory_space<vmem>>
    %dma_wait3A_123 = arith.constant 0 : i32
    %dma_wait3A_124 = arith.constant 0 : i32
    %dma_wait3A_125 = tpu.memref_slice %arg4[%dma_wait3A_123, %dma_wait3A_124] : memref<1000000x32xf32, #tpu.memory_space<hbm>> -> memref<1000000x32xf32, #tpu.memory_space<hbm>>
    tpu.wait_indirect_dma semaphore(%arg18 : memref<!tpu.dma_semaphore, #tpu.memory_space<semaphore_mem>>) src(%dma_wait3A_125 : memref<1000000x32xf32, #tpu.memory_space<hbm>>) dst(%dma_wait3A_120 : memref<128x32xf32, #tpu.memory_space<vmem>>)
    %dma_wait3A_126 = arith.constant 0 : i32
    %dma_wait3A_127 = arith.constant 0 : i32
    %dma_wait3A_128 = tpu.memref_slice %arg13[%dma_wait3A_126, %dma_wait3A_127] : memref<512x32xf32, #tpu.memory_space<vmem>> -> memref<128x32xf32, #tpu.memory_space<vmem>>
    %dma_wait3A_129 = arith.constant 0 : i32
    %dma_wait3A_130 = tpu.memref_slice %arg10[%dma_wait3A_129] : memref<512xi32, #tpu.memory_space<vmem>> -> memref<128xi32, #tpu.memory_space<vmem>>
    %dma_wait3A_131 = arith.constant 0 : i32
    %dma_wait3A_132 = arith.constant 0 : i32
    %dma_wait3A_133 = tpu.memref_slice %arg6[%dma_wait3A_131, %dma_wait3A_132] : memref<1000000x32xf32, #tpu.memory_space<hbm>> -> memref<1000000x32xf32, #tpu.memory_space<hbm>>
    tpu.wait_indirect_dma semaphore(%arg18 : memref<!tpu.dma_semaphore, #tpu.memory_space<semaphore_mem>>) src(%dma_wait3A_133 : memref<1000000x32xf32, #tpu.memory_space<hbm>>) dst(%dma_wait3A_128 : memref<128x32xf32, #tpu.memory_space<vmem>>)
    %dma_wait3A_134 = arith.constant 0 : i32
    %dma_wait3A_135 = tpu.memref_slice %arg14[%dma_wait3A_134] : memref<512xf32, #tpu.memory_space<vmem>> -> memref<128xf32, #tpu.memory_space<vmem>>
    %dma_wait3A_136 = arith.constant 0 : i32
    %dma_wait3A_137 = tpu.memref_slice %arg9[%dma_wait3A_136] : memref<512xi32, #tpu.memory_space<vmem>> -> memref<128xi32, #tpu.memory_space<vmem>>
    %dma_wait3A_138 = arith.constant 0 : i32
    %dma_wait3A_139 = tpu.memref_slice %arg5[%dma_wait3A_138] : memref<2000000xf32, #tpu.memory_space<hbm>> -> memref<2000000xf32, #tpu.memory_space<hbm>>
    tpu.wait_indirect_dma semaphore(%arg18 : memref<!tpu.dma_semaphore, #tpu.memory_space<semaphore_mem>>) src(%dma_wait3A_139 : memref<2000000xf32, #tpu.memory_space<hbm>>) dst(%dma_wait3A_135 : memref<128xf32, #tpu.memory_space<vmem>>)
    %dma_wait3A_140 = arith.constant 0 : i32
    %dma_wait3A_141 = tpu.memref_slice %arg15[%dma_wait3A_140] : memref<512xf32, #tpu.memory_space<vmem>> -> memref<128xf32, #tpu.memory_space<vmem>>
    %dma_wait3A_142 = arith.constant 0 : i32
    %dma_wait3A_143 = tpu.memref_slice %arg11[%dma_wait3A_142] : memref<512xi32, #tpu.memory_space<vmem>> -> memref<128xi32, #tpu.memory_space<vmem>>
    %dma_wait3A_144 = arith.constant 0 : i32
    %dma_wait3A_145 = tpu.memref_slice %arg5[%dma_wait3A_144] : memref<2000000xf32, #tpu.memory_space<hbm>> -> memref<2000000xf32, #tpu.memory_space<hbm>>
    tpu.wait_indirect_dma semaphore(%arg18 : memref<!tpu.dma_semaphore, #tpu.memory_space<semaphore_mem>>) src(%dma_wait3A_145 : memref<2000000xf32, #tpu.memory_space<hbm>>) dst(%dma_wait3A_141 : memref<128xf32, #tpu.memory_space<vmem>>)
    %dma_wait3A_146 = arith.constant 128 : i32
    %dma_wait3A_147 = arith.constant 0 : i32
    %dma_wait3A_148 = tpu.memref_slice %arg12[%dma_wait3A_146, %dma_wait3A_147] : memref<512x32xf32, #tpu.memory_space<vmem>> -> memref<128x32xf32, #tpu.memory_space<vmem>>
    %dma_wait3A_149 = arith.constant 128 : i32
    %dma_wait3A_150 = tpu.memref_slice %arg9[%dma_wait3A_149] : memref<512xi32, #tpu.memory_space<vmem>> -> memref<128xi32, #tpu.memory_space<vmem>>
    %dma_wait3A_151 = arith.constant 0 : i32
    %dma_wait3A_152 = arith.constant 0 : i32
    %dma_wait3A_153 = tpu.memref_slice %arg4[%dma_wait3A_151, %dma_wait3A_152] : memref<1000000x32xf32, #tpu.memory_space<hbm>> -> memref<1000000x32xf32, #tpu.memory_space<hbm>>
    tpu.wait_indirect_dma semaphore(%arg18 : memref<!tpu.dma_semaphore, #tpu.memory_space<semaphore_mem>>) src(%dma_wait3A_153 : memref<1000000x32xf32, #tpu.memory_space<hbm>>) dst(%dma_wait3A_148 : memref<128x32xf32, #tpu.memory_space<vmem>>)
    %dma_wait3A_154 = arith.constant 128 : i32
    %dma_wait3A_155 = arith.constant 0 : i32
    %dma_wait3A_156 = tpu.memref_slice %arg13[%dma_wait3A_154, %dma_wait3A_155] : memref<512x32xf32, #tpu.memory_space<vmem>> -> memref<128x32xf32, #tpu.memory_space<vmem>>
    %dma_wait3A_157 = arith.constant 128 : i32
    %dma_wait3A_158 = tpu.memref_slice %arg10[%dma_wait3A_157] : memref<512xi32, #tpu.memory_space<vmem>> -> memref<128xi32, #tpu.memory_space<vmem>>
    %dma_wait3A_159 = arith.constant 0 : i32
    %dma_wait3A_160 = arith.constant 0 : i32
    %dma_wait3A_161 = tpu.memref_slice %arg6[%dma_wait3A_159, %dma_wait3A_160] : memref<1000000x32xf32, #tpu.memory_space<hbm>> -> memref<1000000x32xf32, #tpu.memory_space<hbm>>
    tpu.wait_indirect_dma semaphore(%arg18 : memref<!tpu.dma_semaphore, #tpu.memory_space<semaphore_mem>>) src(%dma_wait3A_161 : memref<1000000x32xf32, #tpu.memory_space<hbm>>) dst(%dma_wait3A_156 : memref<128x32xf32, #tpu.memory_space<vmem>>)
    %dma_wait3A_162 = arith.constant 128 : i32
    %dma_wait3A_163 = tpu.memref_slice %arg14[%dma_wait3A_162] : memref<512xf32, #tpu.memory_space<vmem>> -> memref<128xf32, #tpu.memory_space<vmem>>
    %dma_wait3A_164 = arith.constant 128 : i32
    %dma_wait3A_165 = tpu.memref_slice %arg9[%dma_wait3A_164] : memref<512xi32, #tpu.memory_space<vmem>> -> memref<128xi32, #tpu.memory_space<vmem>>
    %dma_wait3A_166 = arith.constant 0 : i32
    %dma_wait3A_167 = tpu.memref_slice %arg5[%dma_wait3A_166] : memref<2000000xf32, #tpu.memory_space<hbm>> -> memref<2000000xf32, #tpu.memory_space<hbm>>
    tpu.wait_indirect_dma semaphore(%arg18 : memref<!tpu.dma_semaphore, #tpu.memory_space<semaphore_mem>>) src(%dma_wait3A_167 : memref<2000000xf32, #tpu.memory_space<hbm>>) dst(%dma_wait3A_163 : memref<128xf32, #tpu.memory_space<vmem>>)
    %dma_wait3A_168 = arith.constant 128 : i32
    %dma_wait3A_169 = tpu.memref_slice %arg15[%dma_wait3A_168] : memref<512xf32, #tpu.memory_space<vmem>> -> memref<128xf32, #tpu.memory_space<vmem>>
    %dma_wait3A_170 = arith.constant 128 : i32
    %dma_wait3A_171 = tpu.memref_slice %arg11[%dma_wait3A_170] : memref<512xi32, #tpu.memory_space<vmem>> -> memref<128xi32, #tpu.memory_space<vmem>>
    %dma_wait3A_172 = arith.constant 0 : i32
    %dma_wait3A_173 = tpu.memref_slice %arg5[%dma_wait3A_172] : memref<2000000xf32, #tpu.memory_space<hbm>> -> memref<2000000xf32, #tpu.memory_space<hbm>>
    tpu.wait_indirect_dma semaphore(%arg18 : memref<!tpu.dma_semaphore, #tpu.memory_space<semaphore_mem>>) src(%dma_wait3A_173 : memref<2000000xf32, #tpu.memory_space<hbm>>) dst(%dma_wait3A_169 : memref<128xf32, #tpu.memory_space<vmem>>)
    %dma_wait3A_174 = arith.constant 256 : i32
    %dma_wait3A_175 = arith.constant 0 : i32
    %dma_wait3A_176 = tpu.memref_slice %arg12[%dma_wait3A_174, %dma_wait3A_175] : memref<512x32xf32, #tpu.memory_space<vmem>> -> memref<128x32xf32, #tpu.memory_space<vmem>>
    %dma_wait3A_177 = arith.constant 256 : i32
    %dma_wait3A_178 = tpu.memref_slice %arg9[%dma_wait3A_177] : memref<512xi32, #tpu.memory_space<vmem>> -> memref<128xi32, #tpu.memory_space<vmem>>
    %dma_wait3A_179 = arith.constant 0 : i32
    %dma_wait3A_180 = arith.constant 0 : i32
    %dma_wait3A_181 = tpu.memref_slice %arg4[%dma_wait3A_179, %dma_wait3A_180] : memref<1000000x32xf32, #tpu.memory_space<hbm>> -> memref<1000000x32xf32, #tpu.memory_space<hbm>>
    tpu.wait_indirect_dma semaphore(%arg18 : memref<!tpu.dma_semaphore, #tpu.memory_space<semaphore_mem>>) src(%dma_wait3A_181 : memref<1000000x32xf32, #tpu.memory_space<hbm>>) dst(%dma_wait3A_176 : memref<128x32xf32, #tpu.memory_space<vmem>>)
    %dma_wait3A_182 = arith.constant 256 : i32
    %dma_wait3A_183 = arith.constant 0 : i32
    %dma_wait3A_184 = tpu.memref_slice %arg13[%dma_wait3A_182, %dma_wait3A_183] : memref<512x32xf32, #tpu.memory_space<vmem>> -> memref<128x32xf32, #tpu.memory_space<vmem>>
    %dma_wait3A_185 = arith.constant 256 : i32
    %dma_wait3A_186 = tpu.memref_slice %arg10[%dma_wait3A_185] : memref<512xi32, #tpu.memory_space<vmem>> -> memref<128xi32, #tpu.memory_space<vmem>>
    %dma_wait3A_187 = arith.constant 0 : i32
    %dma_wait3A_188 = arith.constant 0 : i32
    %dma_wait3A_189 = tpu.memref_slice %arg6[%dma_wait3A_187, %dma_wait3A_188] : memref<1000000x32xf32, #tpu.memory_space<hbm>> -> memref<1000000x32xf32, #tpu.memory_space<hbm>>
    tpu.wait_indirect_dma semaphore(%arg18 : memref<!tpu.dma_semaphore, #tpu.memory_space<semaphore_mem>>) src(%dma_wait3A_189 : memref<1000000x32xf32, #tpu.memory_space<hbm>>) dst(%dma_wait3A_184 : memref<128x32xf32, #tpu.memory_space<vmem>>)
    %dma_wait3A_190 = arith.constant 256 : i32
    %dma_wait3A_191 = tpu.memref_slice %arg14[%dma_wait3A_190] : memref<512xf32, #tpu.memory_space<vmem>> -> memref<128xf32, #tpu.memory_space<vmem>>
    %dma_wait3A_192 = arith.constant 256 : i32
    %dma_wait3A_193 = tpu.memref_slice %arg9[%dma_wait3A_192] : memref<512xi32, #tpu.memory_space<vmem>> -> memref<128xi32, #tpu.memory_space<vmem>>
    %dma_wait3A_194 = arith.constant 0 : i32
    %dma_wait3A_195 = tpu.memref_slice %arg5[%dma_wait3A_194] : memref<2000000xf32, #tpu.memory_space<hbm>> -> memref<2000000xf32, #tpu.memory_space<hbm>>
    tpu.wait_indirect_dma semaphore(%arg18 : memref<!tpu.dma_semaphore, #tpu.memory_space<semaphore_mem>>) src(%dma_wait3A_195 : memref<2000000xf32, #tpu.memory_space<hbm>>) dst(%dma_wait3A_191 : memref<128xf32, #tpu.memory_space<vmem>>)
    %dma_wait3A_196 = arith.constant 256 : i32
    %dma_wait3A_197 = tpu.memref_slice %arg15[%dma_wait3A_196] : memref<512xf32, #tpu.memory_space<vmem>> -> memref<128xf32, #tpu.memory_space<vmem>>
    %dma_wait3A_198 = arith.constant 256 : i32
    %dma_wait3A_199 = tpu.memref_slice %arg11[%dma_wait3A_198] : memref<512xi32, #tpu.memory_space<vmem>> -> memref<128xi32, #tpu.memory_space<vmem>>
    %dma_wait3A_200 = arith.constant 0 : i32
    %dma_wait3A_201 = tpu.memref_slice %arg5[%dma_wait3A_200] : memref<2000000xf32, #tpu.memory_space<hbm>> -> memref<2000000xf32, #tpu.memory_space<hbm>>
    tpu.wait_indirect_dma semaphore(%arg18 : memref<!tpu.dma_semaphore, #tpu.memory_space<semaphore_mem>>) src(%dma_wait3A_201 : memref<2000000xf32, #tpu.memory_space<hbm>>) dst(%dma_wait3A_197 : memref<128xf32, #tpu.memory_space<vmem>>)
    %dma_wait3A_202 = arith.constant 384 : i32
    %dma_wait3A_203 = arith.constant 0 : i32
    %dma_wait3A_204 = tpu.memref_slice %arg12[%dma_wait3A_202, %dma_wait3A_203] : memref<512x32xf32, #tpu.memory_space<vmem>> -> memref<128x32xf32, #tpu.memory_space<vmem>>
    %dma_wait3A_205 = arith.constant 384 : i32
    %dma_wait3A_206 = tpu.memref_slice %arg9[%dma_wait3A_205] : memref<512xi32, #tpu.memory_space<vmem>> -> memref<128xi32, #tpu.memory_space<vmem>>
    %dma_wait3A_207 = arith.constant 0 : i32
    %dma_wait3A_208 = arith.constant 0 : i32
    %dma_wait3A_209 = tpu.memref_slice %arg4[%dma_wait3A_207, %dma_wait3A_208] : memref<1000000x32xf32, #tpu.memory_space<hbm>> -> memref<1000000x32xf32, #tpu.memory_space<hbm>>
    tpu.wait_indirect_dma semaphore(%arg18 : memref<!tpu.dma_semaphore, #tpu.memory_space<semaphore_mem>>) src(%dma_wait3A_209 : memref<1000000x32xf32, #tpu.memory_space<hbm>>) dst(%dma_wait3A_204 : memref<128x32xf32, #tpu.memory_space<vmem>>)
    %dma_wait3A_210 = arith.constant 384 : i32
    %dma_wait3A_211 = arith.constant 0 : i32
    %dma_wait3A_212 = tpu.memref_slice %arg13[%dma_wait3A_210, %dma_wait3A_211] : memref<512x32xf32, #tpu.memory_space<vmem>> -> memref<128x32xf32, #tpu.memory_space<vmem>>
    %dma_wait3A_213 = arith.constant 384 : i32
    %dma_wait3A_214 = tpu.memref_slice %arg10[%dma_wait3A_213] : memref<512xi32, #tpu.memory_space<vmem>> -> memref<128xi32, #tpu.memory_space<vmem>>
    %dma_wait3A_215 = arith.constant 0 : i32
    %dma_wait3A_216 = arith.constant 0 : i32
    %dma_wait3A_217 = tpu.memref_slice %arg6[%dma_wait3A_215, %dma_wait3A_216] : memref<1000000x32xf32, #tpu.memory_space<hbm>> -> memref<1000000x32xf32, #tpu.memory_space<hbm>>
    tpu.wait_indirect_dma semaphore(%arg18 : memref<!tpu.dma_semaphore, #tpu.memory_space<semaphore_mem>>) src(%dma_wait3A_217 : memref<1000000x32xf32, #tpu.memory_space<hbm>>) dst(%dma_wait3A_212 : memref<128x32xf32, #tpu.memory_space<vmem>>)
    %dma_wait3A_218 = arith.constant 384 : i32
    %dma_wait3A_219 = tpu.memref_slice %arg14[%dma_wait3A_218] : memref<512xf32, #tpu.memory_space<vmem>> -> memref<128xf32, #tpu.memory_space<vmem>>
    %dma_wait3A_220 = arith.constant 384 : i32
    %dma_wait3A_221 = tpu.memref_slice %arg9[%dma_wait3A_220] : memref<512xi32, #tpu.memory_space<vmem>> -> memref<128xi32, #tpu.memory_space<vmem>>
    %dma_wait3A_222 = arith.constant 0 : i32
    %dma_wait3A_223 = tpu.memref_slice %arg5[%dma_wait3A_222] : memref<2000000xf32, #tpu.memory_space<hbm>> -> memref<2000000xf32, #tpu.memory_space<hbm>>
    tpu.wait_indirect_dma semaphore(%arg18 : memref<!tpu.dma_semaphore, #tpu.memory_space<semaphore_mem>>) src(%dma_wait3A_223 : memref<2000000xf32, #tpu.memory_space<hbm>>) dst(%dma_wait3A_219 : memref<128xf32, #tpu.memory_space<vmem>>)
    %dma_wait3A_224 = arith.constant 384 : i32
    %dma_wait3A_225 = tpu.memref_slice %arg15[%dma_wait3A_224] : memref<512xf32, #tpu.memory_space<vmem>> -> memref<128xf32, #tpu.memory_space<vmem>>
    %dma_wait3A_226 = arith.constant 384 : i32
    %dma_wait3A_227 = tpu.memref_slice %arg11[%dma_wait3A_226] : memref<512xi32, #tpu.memory_space<vmem>> -> memref<128xi32, #tpu.memory_space<vmem>>
    %dma_wait3A_228 = arith.constant 0 : i32
    %dma_wait3A_229 = tpu.memref_slice %arg5[%dma_wait3A_228] : memref<2000000xf32, #tpu.memory_space<hbm>> -> memref<2000000xf32, #tpu.memory_space<hbm>>
    tpu.wait_indirect_dma semaphore(%arg18 : memref<!tpu.dma_semaphore, #tpu.memory_space<semaphore_mem>>) src(%dma_wait3A_229 : memref<2000000xf32, #tpu.memory_space<hbm>>) dst(%dma_wait3A_225 : memref<128xf32, #tpu.memory_space<vmem>>)
    %iota3A = tpu.iota {dimensions = array<i32: 0>} : vector<16xi32>
    %broadcast_in_dim3A = arith.constant 0 : i32
    %broadcast_in_dim3A_230 = vector.broadcast %broadcast_in_dim3A : i32 to vector<16xi32>
    %get3A = arith.constant 0 : index
    %get3A_231 = tpu.vector_load %arg17[%get3A] {strides = array<i32>} : memref<16xf32, #tpu.memory_space<vmem>>, vector<16xf32>,
    %scan3A_232 = arith.constant 0 : i32
    %scan3A_233 = arith.constant 0 : i32
    %scan3A_234 = arith.constant 32 : i32
    %scan3A_235 = arith.addi %scan3A_233, %scan3A_234 : i32
    %scan3A_236 = arith.constant 1 : i32
    scf.for %scan3A_238 = %scan3A_233 to %scan3A_235 step %scan3A_236  : i32 {
      %mul3A_239 = arith.constant 16 : i32
      %mul3A_240 = arith.muli %scan3A_238, %mul3A_239 : i32
      %add3A_241 = vector.broadcast %mul3A_240 : i32 to vector<16xi32>
      %add3A_242 = arith.addi %add3A_241, %iota3A : vector<16xi32>
      %mul3A_243 = arith.constant 16 : i32
      %mul3A_244 = arith.muli %scan3A_238, %mul3A_243 : i32
      %get3A_245 = arith.index_cast %mul3A_244 : i32 to index
      %get3A_246 = tpu.vector_load %arg14[%get3A_245] {strides = array<i32>} : memref<512xf32, #tpu.memory_space<vmem>>, vector<16xf32>,
      %add3A_247 = arith.addf %get3A_231, %get3A_246 : vector<16xf32>
      %mul3A_248 = arith.constant 16 : i32
      %mul3A_249 = arith.muli %scan3A_238, %mul3A_248 : i32
      %get3A_250 = arith.index_cast %mul3A_249 : i32 to index
      %get3A_251 = tpu.vector_load %arg15[%get3A_250] {strides = array<i32>} : memref<512xf32, #tpu.memory_space<vmem>>, vector<16xf32>,
      %add3A_252 = arith.addf %add3A_247, %get3A_251 : vector<16xf32>
      %broadcast_in_dim3A_253 = arith.constant 0 : i32
      %broadcast_in_dim3A_254 = vector.broadcast %broadcast_in_dim3A_253 : i32 to vector<16xi32>
      %gather3A = tpu.vector_load_idx %arg12[%add3A_242, %broadcast_in_dim3A_254] : memref<512x32xf32, #tpu.memory_space<vmem>>[vector<16xi32>, vector<16xi32>], vector<16xf32>,
      %gather3A_255 = tpu.vector_load_idx %arg13[%add3A_242, %broadcast_in_dim3A_254] : memref<512x32xf32, #tpu.memory_space<vmem>>[vector<16xi32>, vector<16xi32>], vector<16xf32>,
      %mul3A_256 = arith.mulf %gather3A, %gather3A_255 : vector<16xf32>
      %add3A_257 = arith.addf %add3A_252, %mul3A_256 : vector<16xf32>
      %broadcast_in_dim3A_258 = arith.constant 1 : i32
      %broadcast_in_dim3A_259 = vector.broadcast %broadcast_in_dim3A_258 : i32 to vector<16xi32>
      %gather3A_260 = tpu.vector_load_idx %arg12[%add3A_242, %broadcast_in_dim3A_259] : memref<512x32xf32, #tpu.memory_space<vmem>>[vector<16xi32>, vector<16xi32>], vector<16xf32>,
      %gather3A_261 = tpu.vector_load_idx %arg13[%add3A_242, %broadcast_in_dim3A_259] : memref<512x32xf32, #tpu.memory_space<vmem>>[vector<16xi32>, vector<16xi32>], vector<16xf32>,
      %mul3A_262 = arith.mulf %gather3A_260, %gather3A_261 : vector<16xf32>
      %add3A_263 = arith.addf %add3A_257, %mul3A_262 : vector<16xf32>
      %broadcast_in_dim3A_264 = arith.constant 2 : i32
      %broadcast_in_dim3A_265 = vector.broadcast %broadcast_in_dim3A_264 : i32 to vector<16xi32>
      %gather3A_266 = tpu.vector_load_idx %arg12[%add3A_242, %broadcast_in_dim3A_265] : memref<512x32xf32, #tpu.memory_space<vmem>>[vector<16xi32>, vector<16xi32>], vector<16xf32>,
      %gather3A_267 = tpu.vector_load_idx %arg13[%add3A_242, %broadcast_in_dim3A_265] : memref<512x32xf32, #tpu.memory_space<vmem>>[vector<16xi32>, vector<16xi32>], vector<16xf32>,
      %mul3A_268 = arith.mulf %gather3A_266, %gather3A_267 : vector<16xf32>
      %add3A_269 = arith.addf %add3A_263, %mul3A_268 : vector<16xf32>
      %broadcast_in_dim3A_270 = arith.constant 3 : i32
      %broadcast_in_dim3A_271 = vector.broadcast %broadcast_in_dim3A_270 : i32 to vector<16xi32>
      %gather3A_272 = tpu.vector_load_idx %arg12[%add3A_242, %broadcast_in_dim3A_271] : memref<512x32xf32, #tpu.memory_space<vmem>>[vector<16xi32>, vector<16xi32>], vector<16xf32>,
      %gather3A_273 = tpu.vector_load_idx %arg13[%add3A_242, %broadcast_in_dim3A_271] : memref<512x32xf32, #tpu.memory_space<vmem>>[vector<16xi32>, vector<16xi32>], vector<16xf32>,
      %mul3A_274 = arith.mulf %gather3A_272, %gather3A_273 : vector<16xf32>
      %add3A_275 = arith.addf %add3A_269, %mul3A_274 : vector<16xf32>
      %broadcast_in_dim3A_276 = arith.constant 4 : i32
      %broadcast_in_dim3A_277 = vector.broadcast %broadcast_in_dim3A_276 : i32 to vector<16xi32>
      %gather3A_278 = tpu.vector_load_idx %arg12[%add3A_242, %broadcast_in_dim3A_277] : memref<512x32xf32, #tpu.memory_space<vmem>>[vector<16xi32>, vector<16xi32>], vector<16xf32>,
      %gather3A_279 = tpu.vector_load_idx %arg13[%add3A_242, %broadcast_in_dim3A_277] : memref<512x32xf32, #tpu.memory_space<vmem>>[vector<16xi32>, vector<16xi32>], vector<16xf32>,
      %mul3A_280 = arith.mulf %gather3A_278, %gather3A_279 : vector<16xf32>
      %add3A_281 = arith.addf %add3A_275, %mul3A_280 : vector<16xf32>
      %broadcast_in_dim3A_282 = arith.constant 5 : i32
      %broadcast_in_dim3A_283 = vector.broadcast %broadcast_in_dim3A_282 : i32 to vector<16xi32>
      %gather3A_284 = tpu.vector_load_idx %arg12[%add3A_242, %broadcast_in_dim3A_283] : memref<512x32xf32, #tpu.memory_space<vmem>>[vector<16xi32>, vector<16xi32>], vector<16xf32>,
      %gather3A_285 = tpu.vector_load_idx %arg13[%add3A_242, %broadcast_in_dim3A_283] : memref<512x32xf32, #tpu.memory_space<vmem>>[vector<16xi32>, vector<16xi32>], vector<16xf32>,
      %mul3A_286 = arith.mulf %gather3A_284, %gather3A_285 : vector<16xf32>
      %add3A_287 = arith.addf %add3A_281, %mul3A_286 : vector<16xf32>
      %broadcast_in_dim3A_288 = arith.constant 6 : i32
      %broadcast_in_dim3A_289 = vector.broadcast %broadcast_in_dim3A_288 : i32 to vector<16xi32>
      %gather3A_290 = tpu.vector_load_idx %arg12[%add3A_242, %broadcast_in_dim3A_289] : memref<512x32xf32, #tpu.memory_space<vmem>>[vector<16xi32>, vector<16xi32>], vector<16xf32>,
      %gather3A_291 = tpu.vector_load_idx %arg13[%add3A_242, %broadcast_in_dim3A_289] : memref<512x32xf32, #tpu.memory_space<vmem>>[vector<16xi32>, vector<16xi32>], vector<16xf32>,
      %mul3A_292 = arith.mulf %gather3A_290, %gather3A_291 : vector<16xf32>
      %add3A_293 = arith.addf %add3A_287, %mul3A_292 : vector<16xf32>
      %broadcast_in_dim3A_294 = arith.constant 7 : i32
      %broadcast_in_dim3A_295 = vector.broadcast %broadcast_in_dim3A_294 : i32 to vector<16xi32>
      %gather3A_296 = tpu.vector_load_idx %arg12[%add3A_242, %broadcast_in_dim3A_295] : memref<512x32xf32, #tpu.memory_space<vmem>>[vector<16xi32>, vector<16xi32>], vector<16xf32>,
      %gather3A_297 = tpu.vector_load_idx %arg13[%add3A_242, %broadcast_in_dim3A_295] : memref<512x32xf32, #tpu.memory_space<vmem>>[vector<16xi32>, vector<16xi32>], vector<16xf32>,
      %mul3A_298 = arith.mulf %gather3A_296, %gather3A_297 : vector<16xf32>
      %add3A_299 = arith.addf %add3A_293, %mul3A_298 : vector<16xf32>
      %broadcast_in_dim3A_300 = arith.constant 8 : i32
      %broadcast_in_dim3A_301 = vector.broadcast %broadcast_in_dim3A_300 : i32 to vector<16xi32>
      %gather3A_302 = tpu.vector_load_idx %arg12[%add3A_242, %broadcast_in_dim3A_301] : memref<512x32xf32, #tpu.memory_space<vmem>>[vector<16xi32>, vector<16xi32>], vector<16xf32>,
      %gather3A_303 = tpu.vector_load_idx %arg13[%add3A_242, %broadcast_in_dim3A_301] : memref<512x32xf32, #tpu.memory_space<vmem>>[vector<16xi32>, vector<16xi32>], vector<16xf32>,
      %mul3A_304 = arith.mulf %gather3A_302, %gather3A_303 : vector<16xf32>
      %add3A_305 = arith.addf %add3A_299, %mul3A_304 : vector<16xf32>
      %broadcast_in_dim3A_306 = arith.constant 9 : i32
      %broadcast_in_dim3A_307 = vector.broadcast %broadcast_in_dim3A_306 : i32 to vector<16xi32>
      %gather3A_308 = tpu.vector_load_idx %arg12[%add3A_242, %broadcast_in_dim3A_307] : memref<512x32xf32, #tpu.memory_space<vmem>>[vector<16xi32>, vector<16xi32>], vector<16xf32>,
      %gather3A_309 = tpu.vector_load_idx %arg13[%add3A_242, %broadcast_in_dim3A_307] : memref<512x32xf32, #tpu.memory_space<vmem>>[vector<16xi32>, vector<16xi32>], vector<16xf32>,
      %mul3A_310 = arith.mulf %gather3A_308, %gather3A_309 : vector<16xf32>
      %add3A_311 = arith.addf %add3A_305, %mul3A_310 : vector<16xf32>
      %broadcast_in_dim3A_312 = arith.constant 10 : i32
      %broadcast_in_dim3A_313 = vector.broadcast %broadcast_in_dim3A_312 : i32 to vector<16xi32>
      %gather3A_314 = tpu.vector_load_idx %arg12[%add3A_242, %broadcast_in_dim3A_313] : memref<512x32xf32, #tpu.memory_space<vmem>>[vector<16xi32>, vector<16xi32>], vector<16xf32>,
      %gather3A_315 = tpu.vector_load_idx %arg13[%add3A_242, %broadcast_in_dim3A_313] : memref<512x32xf32, #tpu.memory_space<vmem>>[vector<16xi32>, vector<16xi32>], vector<16xf32>,
      %mul3A_316 = arith.mulf %gather3A_314, %gather3A_315 : vector<16xf32>
      %add3A_317 = arith.addf %add3A_311, %mul3A_316 : vector<16xf32>
      %broadcast_in_dim3A_318 = arith.constant 11 : i32
      %broadcast_in_dim3A_319 = vector.broadcast %broadcast_in_dim3A_318 : i32 to vector<16xi32>
      %gather3A_320 = tpu.vector_load_idx %arg12[%add3A_242, %broadcast_in_dim3A_319] : memref<512x32xf32, #tpu.memory_space<vmem>>[vector<16xi32>, vector<16xi32>], vector<16xf32>,
      %gather3A_321 = tpu.vector_load_idx %arg13[%add3A_242, %broadcast_in_dim3A_319] : memref<512x32xf32, #tpu.memory_space<vmem>>[vector<16xi32>, vector<16xi32>], vector<16xf32>,
      %mul3A_322 = arith.mulf %gather3A_320, %gather3A_321 : vector<16xf32>
      %add3A_323 = arith.addf %add3A_317, %mul3A_322 : vector<16xf32>
      %broadcast_in_dim3A_324 = arith.constant 12 : i32
      %broadcast_in_dim3A_325 = vector.broadcast %broadcast_in_dim3A_324 : i32 to vector<16xi32>
      %gather3A_326 = tpu.vector_load_idx %arg12[%add3A_242, %broadcast_in_dim3A_325] : memref<512x32xf32, #tpu.memory_space<vmem>>[vector<16xi32>, vector<16xi32>], vector<16xf32>,
      %gather3A_327 = tpu.vector_load_idx %arg13[%add3A_242, %broadcast_in_dim3A_325] : memref<512x32xf32, #tpu.memory_space<vmem>>[vector<16xi32>, vector<16xi32>], vector<16xf32>,
      %mul3A_328 = arith.mulf %gather3A_326, %gather3A_327 : vector<16xf32>
      %add3A_329 = arith.addf %add3A_323, %mul3A_328 : vector<16xf32>
      %broadcast_in_dim3A_330 = arith.constant 13 : i32
      %broadcast_in_dim3A_331 = vector.broadcast %broadcast_in_dim3A_330 : i32 to vector<16xi32>
      %gather3A_332 = tpu.vector_load_idx %arg12[%add3A_242, %broadcast_in_dim3A_331] : memref<512x32xf32, #tpu.memory_space<vmem>>[vector<16xi32>, vector<16xi32>], vector<16xf32>,
      %gather3A_333 = tpu.vector_load_idx %arg13[%add3A_242, %broadcast_in_dim3A_331] : memref<512x32xf32, #tpu.memory_space<vmem>>[vector<16xi32>, vector<16xi32>], vector<16xf32>,
      %mul3A_334 = arith.mulf %gather3A_332, %gather3A_333 : vector<16xf32>
      %add3A_335 = arith.addf %add3A_329, %mul3A_334 : vector<16xf32>
      %broadcast_in_dim3A_336 = arith.constant 14 : i32
      %broadcast_in_dim3A_337 = vector.broadcast %broadcast_in_dim3A_336 : i32 to vector<16xi32>
      %gather3A_338 = tpu.vector_load_idx %arg12[%add3A_242, %broadcast_in_dim3A_337] : memref<512x32xf32, #tpu.memory_space<vmem>>[vector<16xi32>, vector<16xi32>], vector<16xf32>,
      %gather3A_339 = tpu.vector_load_idx %arg13[%add3A_242, %broadcast_in_dim3A_337] : memref<512x32xf32, #tpu.memory_space<vmem>>[vector<16xi32>, vector<16xi32>], vector<16xf32>,
      %mul3A_340 = arith.mulf %gather3A_338, %gather3A_339 : vector<16xf32>
      %add3A_341 = arith.addf %add3A_335, %mul3A_340 : vector<16xf32>
      %broadcast_in_dim3A_342 = arith.constant 15 : i32
      %broadcast_in_dim3A_343 = vector.broadcast %broadcast_in_dim3A_342 : i32 to vector<16xi32>
      %gather3A_344 = tpu.vector_load_idx %arg12[%add3A_242, %broadcast_in_dim3A_343] : memref<512x32xf32, #tpu.memory_space<vmem>>[vector<16xi32>, vector<16xi32>], vector<16xf32>,
      %gather3A_345 = tpu.vector_load_idx %arg13[%add3A_242, %broadcast_in_dim3A_343] : memref<512x32xf32, #tpu.memory_space<vmem>>[vector<16xi32>, vector<16xi32>], vector<16xf32>,
      %mul3A_346 = arith.mulf %gather3A_344, %gather3A_345 : vector<16xf32>
      %add3A_347 = arith.addf %add3A_341, %mul3A_346 : vector<16xf32>
      %broadcast_in_dim3A_348 = arith.constant 16 : i32
      %broadcast_in_dim3A_349 = vector.broadcast %broadcast_in_dim3A_348 : i32 to vector<16xi32>
      %gather3A_350 = tpu.vector_load_idx %arg12[%add3A_242, %broadcast_in_dim3A_349] : memref<512x32xf32, #tpu.memory_space<vmem>>[vector<16xi32>, vector<16xi32>], vector<16xf32>,
      %gather3A_351 = tpu.vector_load_idx %arg13[%add3A_242, %broadcast_in_dim3A_349] : memref<512x32xf32, #tpu.memory_space<vmem>>[vector<16xi32>, vector<16xi32>], vector<16xf32>,
      %mul3A_352 = arith.mulf %gather3A_350, %gather3A_351 : vector<16xf32>
      %add3A_353 = arith.addf %add3A_347, %mul3A_352 : vector<16xf32>
      %broadcast_in_dim3A_354 = arith.constant 17 : i32
      %broadcast_in_dim3A_355 = vector.broadcast %broadcast_in_dim3A_354 : i32 to vector<16xi32>
      %gather3A_356 = tpu.vector_load_idx %arg12[%add3A_242, %broadcast_in_dim3A_355] : memref<512x32xf32, #tpu.memory_space<vmem>>[vector<16xi32>, vector<16xi32>], vector<16xf32>,
      %gather3A_357 = tpu.vector_load_idx %arg13[%add3A_242, %broadcast_in_dim3A_355] : memref<512x32xf32, #tpu.memory_space<vmem>>[vector<16xi32>, vector<16xi32>], vector<16xf32>,
      %mul3A_358 = arith.mulf %gather3A_356, %gather3A_357 : vector<16xf32>
      %add3A_359 = arith.addf %add3A_353, %mul3A_358 : vector<16xf32>
      %broadcast_in_dim3A_360 = arith.constant 18 : i32
      %broadcast_in_dim3A_361 = vector.broadcast %broadcast_in_dim3A_360 : i32 to vector<16xi32>
      %gather3A_362 = tpu.vector_load_idx %arg12[%add3A_242, %broadcast_in_dim3A_361] : memref<512x32xf32, #tpu.memory_space<vmem>>[vector<16xi32>, vector<16xi32>], vector<16xf32>,
      %gather3A_363 = tpu.vector_load_idx %arg13[%add3A_242, %broadcast_in_dim3A_361] : memref<512x32xf32, #tpu.memory_space<vmem>>[vector<16xi32>, vector<16xi32>], vector<16xf32>,
      %mul3A_364 = arith.mulf %gather3A_362, %gather3A_363 : vector<16xf32>
      %add3A_365 = arith.addf %add3A_359, %mul3A_364 : vector<16xf32>
      %broadcast_in_dim3A_366 = arith.constant 19 : i32
      %broadcast_in_dim3A_367 = vector.broadcast %broadcast_in_dim3A_366 : i32 to vector<16xi32>
      %gather3A_368 = tpu.vector_load_idx %arg12[%add3A_242, %broadcast_in_dim3A_367] : memref<512x32xf32, #tpu.memory_space<vmem>>[vector<16xi32>, vector<16xi32>], vector<16xf32>,
      %gather3A_369 = tpu.vector_load_idx %arg13[%add3A_242, %broadcast_in_dim3A_367] : memref<512x32xf32, #tpu.memory_space<vmem>>[vector<16xi32>, vector<16xi32>], vector<16xf32>,
      %mul3A_370 = arith.mulf %gather3A_368, %gather3A_369 : vector<16xf32>
      %add3A_371 = arith.addf %add3A_365, %mul3A_370 : vector<16xf32>
      %broadcast_in_dim3A_372 = arith.constant 20 : i32
      %broadcast_in_dim3A_373 = vector.broadcast %broadcast_in_dim3A_372 : i32 to vector<16xi32>
      %gather3A_374 = tpu.vector_load_idx %arg12[%add3A_242, %broadcast_in_dim3A_373] : memref<512x32xf32, #tpu.memory_space<vmem>>[vector<16xi32>, vector<16xi32>], vector<16xf32>,
      %gather3A_375 = tpu.vector_load_idx %arg13[%add3A_242, %broadcast_in_dim3A_373] : memref<512x32xf32, #tpu.memory_space<vmem>>[vector<16xi32>, vector<16xi32>], vector<16xf32>,
      %mul3A_376 = arith.mulf %gather3A_374, %gather3A_375 : vector<16xf32>
      %add3A_377 = arith.addf %add3A_371, %mul3A_376 : vector<16xf32>
      %broadcast_in_dim3A_378 = arith.constant 21 : i32
      %broadcast_in_dim3A_379 = vector.broadcast %broadcast_in_dim3A_378 : i32 to vector<16xi32>
      %gather3A_380 = tpu.vector_load_idx %arg12[%add3A_242, %broadcast_in_dim3A_379] : memref<512x32xf32, #tpu.memory_space<vmem>>[vector<16xi32>, vector<16xi32>], vector<16xf32>,
      %gather3A_381 = tpu.vector_load_idx %arg13[%add3A_242, %broadcast_in_dim3A_379] : memref<512x32xf32, #tpu.memory_space<vmem>>[vector<16xi32>, vector<16xi32>], vector<16xf32>,
      %mul3A_382 = arith.mulf %gather3A_380, %gather3A_381 : vector<16xf32>
      %add3A_383 = arith.addf %add3A_377, %mul3A_382 : vector<16xf32>
      %broadcast_in_dim3A_384 = arith.constant 22 : i32
      %broadcast_in_dim3A_385 = vector.broadcast %broadcast_in_dim3A_384 : i32 to vector<16xi32>
      %gather3A_386 = tpu.vector_load_idx %arg12[%add3A_242, %broadcast_in_dim3A_385] : memref<512x32xf32, #tpu.memory_space<vmem>>[vector<16xi32>, vector<16xi32>], vector<16xf32>,
      %gather3A_387 = tpu.vector_load_idx %arg13[%add3A_242, %broadcast_in_dim3A_385] : memref<512x32xf32, #tpu.memory_space<vmem>>[vector<16xi32>, vector<16xi32>], vector<16xf32>,
      %mul3A_388 = arith.mulf %gather3A_386, %gather3A_387 : vector<16xf32>
      %add3A_389 = arith.addf %add3A_383, %mul3A_388 : vector<16xf32>
      %broadcast_in_dim3A_390 = arith.constant 23 : i32
      %broadcast_in_dim3A_391 = vector.broadcast %broadcast_in_dim3A_390 : i32 to vector<16xi32>
      %gather3A_392 = tpu.vector_load_idx %arg12[%add3A_242, %broadcast_in_dim3A_391] : memref<512x32xf32, #tpu.memory_space<vmem>>[vector<16xi32>, vector<16xi32>], vector<16xf32>,
      %gather3A_393 = tpu.vector_load_idx %arg13[%add3A_242, %broadcast_in_dim3A_391] : memref<512x32xf32, #tpu.memory_space<vmem>>[vector<16xi32>, vector<16xi32>], vector<16xf32>,
      %mul3A_394 = arith.mulf %gather3A_392, %gather3A_393 : vector<16xf32>
      %add3A_395 = arith.addf %add3A_389, %mul3A_394 : vector<16xf32>
      %broadcast_in_dim3A_396 = arith.constant 24 : i32
      %broadcast_in_dim3A_397 = vector.broadcast %broadcast_in_dim3A_396 : i32 to vector<16xi32>
      %gather3A_398 = tpu.vector_load_idx %arg12[%add3A_242, %broadcast_in_dim3A_397] : memref<512x32xf32, #tpu.memory_space<vmem>>[vector<16xi32>, vector<16xi32>], vector<16xf32>,
      %gather3A_399 = tpu.vector_load_idx %arg13[%add3A_242, %broadcast_in_dim3A_397] : memref<512x32xf32, #tpu.memory_space<vmem>>[vector<16xi32>, vector<16xi32>], vector<16xf32>,
      %mul3A_400 = arith.mulf %gather3A_398, %gather3A_399 : vector<16xf32>
      %add3A_401 = arith.addf %add3A_395, %mul3A_400 : vector<16xf32>
      %broadcast_in_dim3A_402 = arith.constant 25 : i32
      %broadcast_in_dim3A_403 = vector.broadcast %broadcast_in_dim3A_402 : i32 to vector<16xi32>
      %gather3A_404 = tpu.vector_load_idx %arg12[%add3A_242, %broadcast_in_dim3A_403] : memref<512x32xf32, #tpu.memory_space<vmem>>[vector<16xi32>, vector<16xi32>], vector<16xf32>,
      %gather3A_405 = tpu.vector_load_idx %arg13[%add3A_242, %broadcast_in_dim3A_403] : memref<512x32xf32, #tpu.memory_space<vmem>>[vector<16xi32>, vector<16xi32>], vector<16xf32>,
      %mul3A_406 = arith.mulf %gather3A_404, %gather3A_405 : vector<16xf32>
      %add3A_407 = arith.addf %add3A_401, %mul3A_406 : vector<16xf32>
      %broadcast_in_dim3A_408 = arith.constant 26 : i32
      %broadcast_in_dim3A_409 = vector.broadcast %broadcast_in_dim3A_408 : i32 to vector<16xi32>
      %gather3A_410 = tpu.vector_load_idx %arg12[%add3A_242, %broadcast_in_dim3A_409] : memref<512x32xf32, #tpu.memory_space<vmem>>[vector<16xi32>, vector<16xi32>], vector<16xf32>,
      %gather3A_411 = tpu.vector_load_idx %arg13[%add3A_242, %broadcast_in_dim3A_409] : memref<512x32xf32, #tpu.memory_space<vmem>>[vector<16xi32>, vector<16xi32>], vector<16xf32>,
      %mul3A_412 = arith.mulf %gather3A_410, %gather3A_411 : vector<16xf32>
      %add3A_413 = arith.addf %add3A_407, %mul3A_412 : vector<16xf32>
      %broadcast_in_dim3A_414 = arith.constant 27 : i32
      %broadcast_in_dim3A_415 = vector.broadcast %broadcast_in_dim3A_414 : i32 to vector<16xi32>
      %gather3A_416 = tpu.vector_load_idx %arg12[%add3A_242, %broadcast_in_dim3A_415] : memref<512x32xf32, #tpu.memory_space<vmem>>[vector<16xi32>, vector<16xi32>], vector<16xf32>,
      %gather3A_417 = tpu.vector_load_idx %arg13[%add3A_242, %broadcast_in_dim3A_415] : memref<512x32xf32, #tpu.memory_space<vmem>>[vector<16xi32>, vector<16xi32>], vector<16xf32>,
      %mul3A_418 = arith.mulf %gather3A_416, %gather3A_417 : vector<16xf32>
      %add3A_419 = arith.addf %add3A_413, %mul3A_418 : vector<16xf32>
      %broadcast_in_dim3A_420 = arith.constant 28 : i32
      %broadcast_in_dim3A_421 = vector.broadcast %broadcast_in_dim3A_420 : i32 to vector<16xi32>
      %gather3A_422 = tpu.vector_load_idx %arg12[%add3A_242, %broadcast_in_dim3A_421] : memref<512x32xf32, #tpu.memory_space<vmem>>[vector<16xi32>, vector<16xi32>], vector<16xf32>,
      %gather3A_423 = tpu.vector_load_idx %arg13[%add3A_242, %broadcast_in_dim3A_421] : memref<512x32xf32, #tpu.memory_space<vmem>>[vector<16xi32>, vector<16xi32>], vector<16xf32>,
      %mul3A_424 = arith.mulf %gather3A_422, %gather3A_423 : vector<16xf32>
      %add3A_425 = arith.addf %add3A_419, %mul3A_424 : vector<16xf32>
      %broadcast_in_dim3A_426 = arith.constant 29 : i32
      %broadcast_in_dim3A_427 = vector.broadcast %broadcast_in_dim3A_426 : i32 to vector<16xi32>
      %gather3A_428 = tpu.vector_load_idx %arg12[%add3A_242, %broadcast_in_dim3A_427] : memref<512x32xf32, #tpu.memory_space<vmem>>[vector<16xi32>, vector<16xi32>], vector<16xf32>,
      %gather3A_429 = tpu.vector_load_idx %arg13[%add3A_242, %broadcast_in_dim3A_427] : memref<512x32xf32, #tpu.memory_space<vmem>>[vector<16xi32>, vector<16xi32>], vector<16xf32>,
      %mul3A_430 = arith.mulf %gather3A_428, %gather3A_429 : vector<16xf32>
      %add3A_431 = arith.addf %add3A_425, %mul3A_430 : vector<16xf32>
      %broadcast_in_dim3A_432 = arith.constant 30 : i32
      %broadcast_in_dim3A_433 = vector.broadcast %broadcast_in_dim3A_432 : i32 to vector<16xi32>
      %gather3A_434 = tpu.vector_load_idx %arg12[%add3A_242, %broadcast_in_dim3A_433] : memref<512x32xf32, #tpu.memory_space<vmem>>[vector<16xi32>, vector<16xi32>], vector<16xf32>,
      %gather3A_435 = tpu.vector_load_idx %arg13[%add3A_242, %broadcast_in_dim3A_433] : memref<512x32xf32, #tpu.memory_space<vmem>>[vector<16xi32>, vector<16xi32>], vector<16xf32>,
      %mul3A_436 = arith.mulf %gather3A_434, %gather3A_435 : vector<16xf32>
      %add3A_437 = arith.addf %add3A_431, %mul3A_436 : vector<16xf32>
      %broadcast_in_dim3A_438 = arith.constant 31 : i32
      %broadcast_in_dim3A_439 = vector.broadcast %broadcast_in_dim3A_438 : i32 to vector<16xi32>
      %gather3A_440 = tpu.vector_load_idx %arg12[%add3A_242, %broadcast_in_dim3A_439] : memref<512x32xf32, #tpu.memory_space<vmem>>[vector<16xi32>, vector<16xi32>], vector<16xf32>,
      %gather3A_441 = tpu.vector_load_idx %arg13[%add3A_242, %broadcast_in_dim3A_439] : memref<512x32xf32, #tpu.memory_space<vmem>>[vector<16xi32>, vector<16xi32>], vector<16xf32>,
      %mul3A_442 = arith.mulf %gather3A_440, %gather3A_441 : vector<16xf32>
      %add3A_443 = arith.addf %add3A_437, %mul3A_442 : vector<16xf32>
      %mul3A_444 = arith.constant 16 : i32
      %mul3A_445 = arith.muli %scan3A_238, %mul3A_444 : i32
      %swap3A = arith.index_cast %mul3A_445 : i32 to index
      %swap3A_446 = tpu.vector_load %arg16[%swap3A] {strides = array<i32>} : memref<512xf32, #tpu.memory_space<vmem>>, vector<16xf32>,
      tpu.vector_store %arg16[%swap3A], %add3A_443 {strides = array<i32>} : memref<512xf32, #tpu.memory_space<vmem>>, vector<16xf32>,
    }
    %scan3A_237 = arith.constant 32 : i32
    "tpu.region"() ({
      %run_scoped3A = tpu.sem_alloc : memref<!tpu.dma_semaphore, #tpu.memory_space<semaphore_mem>>
      %dma_start3A_238 = tpu.memref_slice %arg8[%mul3A_2] : memref<16384xf32, #tpu.memory_space<hbm>> -> memref<512xf32, #tpu.memory_space<hbm>>
      %dma_start3A_239 = tpu.memref_slice %arg8[%mul3A_2] : memref<16384xf32, #tpu.memory_space<hbm>> -> memref<512xf32, #tpu.memory_space<hbm>>
      tpu.enqueue_dma source(%arg16 : memref<512xf32, #tpu.memory_space<vmem>>) target(%dma_start3A_239 : memref<512xf32, #tpu.memory_space<hbm>>) target_semaphore(%run_scoped3A : memref<!tpu.dma_semaphore, #tpu.memory_space<semaphore_mem>>)
      %dma_wait3A_240 = tpu.memref_slice %arg8[%mul3A_2] : memref<16384xf32, #tpu.memory_space<hbm>> -> memref<512xf32, #tpu.memory_space<hbm>>
      %dma_wait3A_241 = tpu.memref_slice %arg8[%mul3A_2] : memref<16384xf32, #tpu.memory_space<hbm>> -> memref<512xf32, #tpu.memory_space<hbm>>
      tpu.wait_dma2 semaphore(%run_scoped3A : memref<!tpu.dma_semaphore, #tpu.memory_space<semaphore_mem>>) src(%arg16 : memref<512xf32, #tpu.memory_space<vmem>>) dst(%dma_wait3A_241 : memref<512xf32, #tpu.memory_space<hbm>>)
      tpu.yield
    }) : () -> ()
    return
  }
}

</mosaic_0001>

<sc_bundles>
// kernel: kernel.3.cloned.1.call-start
scs
__scs_entry_jumppad:
0x0: {  	(pc) =	sbr.rel $0x88, $3  }
0x1: {  	(tag) =	ssettag $0x0;
	lr =	simm.s32 $0x1  }
0x2: {  	[smem:$0x3F9A] =	sst lr;
	_ =	strace $0xD0000000  }
0x3: {  	_ = 	snop  }
0x4: {  	_ = 	snop  }
0x5: {  	_ = 	snop  }
0x6: {  	_ = 	snop  }
0x7: {  	_ = 	snop  }
__scs_overlays_trampoline_lowered:
0x8: {  	[smem:$0x3FA9] =	sst s0  }
0x9: {  	[smem:$0x3FAA] =	sst s1  }
0xa: {  	[smem:$0x3FAB] =	sst s2  }
0xb: {  	[smem:$0x3FAC] =	sst s3  }
0xc: {  	[smem:$0x3FAD] =	sst s4  }
0xd: {  	[smem:$0x3FAE] =	sst s5  }
0xe: {  	[smem:$0x3FAF] =	sst s6  }
0xf: {  	[smem:$0x3FB0] =	sst s7  }
0x10: {  	[smem:$0x3FB1] =	sst s8  }
0x11: {  	[smem:$0x3FB2] =	sst s9;
	s0 =	simm.s32 @!p0 $0x0  }
0x12: {  	s1 =	sld [smem:$0x3F98];
	s0 =	simm.s32 @p0 $0x1  }
0x13: {  	[smem:$0x3FB3] =	sst s0;
	s0 =	simm.s32 @!p1 $0x0  }
0x14: {  	s2 =	sld [smem:$0x3F97];
	s0 =	simm.s32 @p1 $0x1  }
0x15: {  	[smem:$0x3FB4] =	sst s0;
	s0 =	simm.s32 @!p2 $0x0  }
0x16: {  	s3 =	sld [smem:$0x3FDB];
	s0 =	simm.s32 @p2 $0x1  }
0x17: {  	s4 =	simm.s32 $0x1BF5;
	[smem:$0x3FB6] =	sst s0  }
0x18: {  	s0 =	sld [smem:$0x3F99];
	_ =	swait.ge [sflag:s4], $0x0  }
0x19: {  	s7 =	sld [smem:$0x3F9A]  }
0x1a: {  	s8 =	sadd.s32 $0xFFFFE003, lr  }
0x1b: {  	s9 =	sadd.s32 $0xFFFFFEF7, lr;
	s5 =	simm.s32 $0xFFFFFFFF;
	p2 =	slt.u32 s8, $0xFFFFF086  }
0x1c: {  	p1 =	slt.u32 s9, $0xF7A;
	s5 =	simm.s32 @!p2 $0x0  }
0x1d: {  	s5 =	simm.s32 @p1 $0x1;
	p0 =	seq.s32 s7, s2  }
0x1e: {  	s7 =	smul.u32 @!p0 $0xF7A, s2;
	p2 =	seq.s32 @!p0 s5, $0x0  }
0x1f: {  	s9 =	smul.u32 $0xF7A, s1;
	s8 =	simm.s32 @!p0 $0x1BF5;
	p2 =	por !p2, p0  }
0x20: {  	[sflag:s8] =	ssyncset.s32 @!p0 $0xFFFFF086;
	s6 =	sadd.s32 @!p0 s3, s7;
	s7 =	simm.s32 @!p0 $0x108  }
0x21: {  	s3 =	sadd.s32 s3, s9;
	s6 =	sadd.s32 @!p0 $0x88, s6;
	s7 =	simm.s32 @p2 $0x1082  }
0x22: {  	[simem:s7], [sflag:s8] =	dma.local @!p0 [hbm:s6], $0xF7A  }
0x23: {  	s9 =	sor.u32 $0xD0000000, s2;
	s6 =	simm.s32 $0x108;
	_ =	swait.ge @!p0 [sflag:s8], $0x0  }
0x24: {  	s3 =	sadd.s32 $0x88, s3;
	s6 =	simm.s32 @!p1 $0x1082;
	[sflag:s4] =	ssyncset.s32 $0xFFFFF086  }
0x25: {  	[simem:s6], [sflag:s4] =	dma.local [hbm:s3], $0xF7A  }
0x26: {  	[smem:$0x3F9A] =	sst s1;
	(tag) =	ssettag s2;
	_ =	strace s9  }
0x27: {  	s1 =	sld [smem:$0x3FAA]  }
0x28: {  	s2 =	sld [smem:$0x3FAB]  }
0x29: {  	s4 =	sld [smem:$0x3FAD]  }
0x2a: {  	p0 =	seq.s32 s5, $0x0;
	s5 =	sld [smem:$0x3FAE]  }
0x2b: {  	s6 =	sld [smem:$0x3FAF]  }
0x2c: {  	s7 =	sld [smem:$0x3FB0]  }
0x2d: {  	s3 =	simm.s32 $0x108;
	s8 =	sld [smem:$0x3FB1]  }
0x2e: {  	s3 =	simm.s32 @!p0 $0x1082;
	s9 =	sld [smem:$0x3FB2]  }
0x2f: {  	lr =	sadd.s32 s0, s3;
	s0 =	sld [smem:$0x3FA9]  }
0x30: {  	s3 =	sld [smem:$0x3FAC]  }
0x31: {  	[smem:$0x3FB5] =	sst s10  }
0x32: {  	s10 =	sld [smem:$0x3FB3];
	_ =	sdelay $0x3  }
0x33: {  	p0 =	seq.s32 s10, $0x1;
	s10 =	sld [smem:$0x3FB5];
	_ =	sdelay $0x3  }
0x34: {  	[smem:$0x3FB5] =	sst s10  }
0x35: {  	s10 =	sld [smem:$0x3FB4];
	_ =	sdelay $0x3  }
0x36: {  	p1 =	seq.s32 s10, $0x1;
	s10 =	sld [smem:$0x3FB5];
	_ =	sdelay $0x3  }
0x37: {  	[smem:$0x3FB5] =	sst s10  }
0x38: {  	s10 =	sld [smem:$0x3FB6]  }
0x39: {  	_ = 	snop;
	(pc) =	sbr.ind lr, $3  }
0x3a: {  	_ = 	snop  }
0x3b: {  	_ = 	snop  }
0x3c: {  	p2 =	seq.s32 s10, $0x1;
	s10 =	sld [smem:$0x3FB5]  }
0x3d: {  	_ =	shalt  }
0x3e: {  	_ =	shalt  }
0x3f: {  	_ =	shalt  }
0x40: {  	_ =	shalt  }
0x41: {  	_ =	shalt  }
0x42: {  	_ =	shalt  }
0x43: {  	_ =	shalt  }
0x44: {  	_ =	shalt  }
0x45: {  	_ =	shalt  }
0x46: {  	_ =	shalt  }
0x47: {  	_ =	shalt  }
0x48: {  	_ =	shalt  }
0x49: {  	_ =	shalt  }
0x4a: {  	_ =	shalt  }
0x4b: {  	_ =	shalt  }
0x4c: {  	_ =	shalt  }
0x4d: {  	_ =	shalt  }
0x4e: {  	_ =	shalt  }
0x4f: {  	_ =	shalt  }
0x50: {  	_ =	shalt  }
0x51: {  	_ =	shalt  }
0x52: {  	_ =	shalt  }
0x53: {  	_ =	shalt  }
0x54: {  	_ =	shalt  }
0x55: {  	_ =	shalt  }
0x56: {  	_ =	shalt  }
0x57: {  	_ =	shalt  }
0x58: {  	_ =	shalt  }
0x59: {  	_ =	shalt  }
0x5a: {  	_ =	shalt  }
0x5b: {  	_ =	shalt  }
0x5c: {  	_ =	shalt  }
0x5d: {  	_ =	shalt  }
0x5e: {  	_ =	shalt  }
0x5f: {  	_ =	shalt  }
0x60: {  	_ =	shalt  }
0x61: {  	_ =	shalt  }
0x62: {  	_ =	shalt  }
0x63: {  	_ =	shalt  }
0x64: {  	_ =	shalt  }
0x65: {  	_ =	shalt  }
0x66: {  	_ =	shalt  }
0x67: {  	_ =	shalt  }
0x68: {  	_ =	shalt  }
0x69: {  	_ =	shalt  }
0x6a: {  	_ =	shalt  }
0x6b: {  	_ =	shalt  }
0x6c: {  	_ =	shalt  }
0x6d: {  	_ =	shalt  }
0x6e: {  	_ =	shalt  }
0x6f: {  	_ =	shalt  }
0x70: {  	_ =	shalt  }
0x71: {  	_ =	shalt  }
0x72: {  	_ =	shalt  }
0x73: {  	_ =	shalt  }
0x74: {  	_ =	shalt  }
0x75: {  	_ =	shalt  }
0x76: {  	_ =	shalt  }
0x77: {  	_ =	shalt  }
0x78: {  	_ =	shalt  }
0x79: {  	_ =	shalt  }
0x7a: {  	_ =	shalt  }
0x7b: {  	_ =	shalt  }
0x7c: {  	_ =	shalt  }
0x7d: {  	_ =	shalt  }
0x7e: {  	_ =	shalt  }
0x7f: {  	_ =	shalt  }
0x80: {  	_ =	shalt  }
0x81: {  	_ =	shalt  }
0x82: {  	_ =	shalt  }
0x83: {  	_ =	shalt  }
0x84: {  	_ =	shalt  }
0x85: {  	_ =	shalt  }
0x86: {  	_ =	shalt  }
0x87: {  	_ =	shalt  }
.Lfunc_end0:
.L_simem_size_0:
called_computation_lowered:
.L_overlay_start_0:
0x88: {  	s2 =	sld [smem:$0x3FD9]  }
0x89: {  	s3 =	sld [smem:$0x3FFE];
	_ =	sdelay $0x1  }
0x8a: {  	s1 =	srdreg.scid  }
0x8b: {  	s0 =	sand.u32 $0x1, s1  }
0x8c: {  	s17 =	sshll.u32 s0, $0xA;
	s2 =	sadd.s32 s3, s2  }
0x8d: {  	s2 =	sadd.s32 s2, s17  }
0x8e: {  	[smem:$0x3FC1] =	sst s2  }
0x8f: {  	_ = 	snop  }
0x90: {  	s2 =	sld [smem:$0x3FC9]  }
0x91: {  	s18 =	sld [smem:$0x3FC8]  }
0x92: {  	s4 =	sld [smem:$0x3FD0];
	(tm) =	ssettm $0x1  }
0x93: {  	s5 =	sld [smem:$0x3FFB];
	_ =	sdelay $0x3  }
0x94: {  	_ =	strace s5  }
0x95: {  	s5 =	sld [smem:$0x3FFC];
	_ =	sdelay $0x3  }
0x96: {  	_ =	strace s5  }
0x97: {  	s5 =	sld [smem:$0x3FFD];
	_ =	sdelay $0x3  }
0x98: {  	_ =	strace s5  }
0x99: {  	_ =	strace $0x8FFFFFFF  }
0x9a: {  	s19 =	sld [smem:$0x3FDB];
	_ =	sdelay $0x1  }
0x9b: {  	s6 =	simm.s32 $_scs_section_size  }
0x9c: {  	s7 =	simm.s32 $_size__tile_overlayer_lowered;
	s8 =	simm.s32 $_tile_overlayer_lowered  }
0x9d: {  	s22 =	simm.s32 $0x1BFF;
	s21 =	sshll.u32 s8, $0x1;
	s5 =	sadd.s32 s6, s19  }
0x9e: {  	s9 =	simm.s32 $0x0;
	s20 =	sshll.u32 s7, $0x1;
	s7 =	sadd.s32 s21, s5  }
0x9f: {  	[timem:s9], [sflag:s22] =	dma.local [hbm:s7], s20  }
0xa0: {  	_ =	swait.ge [sflag:s22], s20  }
0xa1: {  	s6 =	ssub.s32 $0x0, s20;
	[sflag:s22] =	ssyncset.done $0x0  }
0xa2: {  	[sflag:s22] =	ssyncadd.s32 s6;
	_ =	sdelay $0x1  }
0xa3: {  	s23 =	simm.s32 $0x1B8B  }
0xa4: {  	_ =	swait.ge [sflag:s23], $0x1  }
0xa5: {  	[sflag:s23] =	ssyncset.done $0x0  }
0xa6: {  	s25 =	simm.s32 $0x1B8E;
	s24 =	sld [smem:$0x3FFE];
	[sflag:s23] =	ssyncadd.s32 $0xFFFFFFFF  }
0xa7: {  	s26 =	simm.s32 $execute0_lowered;
	[smem:$0x3FD2] =	sst s25  }
0xa8: {  	s7 =	sshll.u32 s26, $0x1;
	_ =	strace $0x80000046;
	[dreg:$0x1] =	wrdreg $0xFFFFFFFF  }
0xa9: {  	s28 =	simm.s32 $_size_execute0_lowered;
	s5 =	sadd.s32 s5, s7;
	[dreg:$0x0] =	wrdreg $0x0  }
0xaa: {  	s7 =	sshll.u32 s28, $0x1;
	[dreg:$0x2] =	wrdreg s5  }
0xab: {  	[dreg:$0x3] =	wrdreg s7  }
0xac: {  	[dreg:$0x4] =	wrdreg $0xC0  }
0xad: {  	_ =	task [dreg:s9], $0x5FFFF  }
0xae: {  	[dreg:$0x1] =	wrdreg $0xFFFFFFFF  }
0xaf: {  	[dreg:$0x0] =	wrdreg $0x60  }
0xb0: {  	[dreg:$0x2] =	wrdreg s2  }
0xb1: {  	[dreg:$0x3] =	wrdreg s18  }
0xb2: {  	[dreg:$0x4] =	wrdreg s24  }
0xb3: {  	[dreg:$0x5] =	wrdreg s4  }
0xb4: {  	[dreg:$0x6] =	wrdreg $0x9  }
0xb5: {  	_ =	task.clear_ibuf [dreg:s9], $0x7FFFF;
	_ =	strace $0x90000046  }
0xb6: {  	s29 =	simm.s32 $0x9;
	_ =	strace $0x80000048  }
0xb7: {  	_ =	swait.ge [sflag:s29], $0x1  }
0xb8: {  	[sflag:s29] =	ssyncadd.s32 $0xFFFFFFFF  }
0xb9: {  	_ =	strace $0x90000048  }
0xba: {  	_ =	sfence  }
0xbb: {  	s30 =	sld [smem:$0x0];
	_ =	sdelay $0x2  }
0xbc: {  	s31 =	sshll.u32 s1, $0xD;
	s1 =	sshrl.u32 s1, $0x2  }
0xbd: {  	s3 =	sand.u32 $0x4000, s31;
	s1 =	sadd.s32 s1, s30  }
0xbe: {  	s0 =	sor.u32 s3, s0;
	s1 =	sshll.u32 s1, $0x11  }
0xbf: {  	s0 =	sor.u32 s1, s0  }
0xc0: {  	s0 =	sadd.s32 $0x8F2B, s0  }
0xc1: {  	[sflag:s0] =	ssyncadd.remote.s32 $0x1  }
0xc2: {  	_ =	sfence.sel $0xFFFF  }
0xc3: {  	[dreg:$0x0] =	wrdreg $0xFFFFFFFF;
	(pc) =	sbr.abs _section_cstart, $3  }
0xc4: {  	[dreg:$0x1] =	wrdreg $0xFFFFFFFF  }
0xc5: {  	_ =	task.clear_ibuf [dreg:s9], $0x2FFFF;
	_ =	strace $0x9FFFFFFF  }
0xc6: {  	(tm) =	ssettm $0x7FFFFFFF  }
0xc7: {  	_ =	shalt  }
tec
execute0_lowered:
.L_overlay_start_1:
0x0: {  	(tag) =	ssettag $0x1  }
0x1: {  	s0 =	rddreg [dreg:$0x0]  }
0x2: {  	s3 =	rddreg [dreg:$0x1]  }
0x3: {  	s1 =	rddreg [dreg:$0x2]  }
0x4: {  	s9 =	rddreg [dreg:$0x3]  }
0x5: {  	s2 =	simm.s32 $0x0;
	s5 =	srdreg.scid;
	s6 =	stileid.u32  }
0x6: {  	s12 =	simm.s32 $0x200;
	s14 =	simm.s32 $0x80;
	s15 =	simm.s32 $0x600  }
0x7: {  	s16 =	simm.s32 $0x4600;
	s24 =	simm.s32 $0x100;
	s31 =	simm.s32 $0x8900  }
0x8: {  	s13 =	simm.s32 $0x380;
	s17 =	simm.s32 $0x7600;
	s18 =	simm.s32 $0x8780  }
0x9: {  	s19 =	simm.s32 $0x580;
	s20 =	simm.s32 $0x8980;
	s21 =	simm.s32 $0x1  }
0xa: {  	s22 =	simm.s32 $0x8A00;
	s23 =	simm.s32 $0x0;
	[smem:$0x7FF] =	sst s2  }
0xb: {  	s4 =	sadd.s32 $0x1312E00, s1;
	s5 =	sand.u32 $0x1, s5;
	s6 =	sshll.u32 s6, $0x7  }
0xc: {  	_ =	strace $0x80000047;
	s7 =	ssub.s32 $0x2, s5;
	s8 =	sshll.u32 s5, $0x6  }
0xd: {  	s5 =	sadd.s32 $0xF42400, s1;
	s10 =	sshrl.u32 s7, $0x1;
	s11 =	sor.u32 s8, s6  }
0xe: {  	s6 =	sadd.s32 $0x3D200, s1;
	s10 =	ssub.s32 s7, s10;
	s7 =	sadd.s32 s0, s11  }
0xf: {  	v0 =	vlaneseq.u32;
	s8 =	sadd.s32 s3, s11;
	s9 =	sadd.s32 s9, s11;
	s11 =	simm.s32 $0x2  }
0x10: {  	v0 =	vmul.u32 $0x20, v0;
	s0 =	simm.s32 $0x180;
	s3 =	simm.s32 $0x3600;
	s10 =	smax.u32 s10, $0x1  }
.LBB2_1:
0x11: {  	[tilespmem:s2], [sflag:$0x2] =	stream.linear.gather [hbm4b:s7+s2], $0x200, $0x38;
	[tilespmem:$0x8C10] =	vst v63  }
0x12: {  	_ =	swait.ge [sflag:s11], $0x200  }
0x13: {  	[sflag:s11] =	ssyncset.done $0x0  }
0x14: {  	[sflag:s11] =	ssyncadd.s32 $0xFFFFFE00  }
0x15: {  	[tilespmem:s12], [sflag:$0x2] =	stream.linear.gather [hbm4b:s8+s2], $0x200, $0x38;
	[tilespmem:$0x8C10] =	vst v63  }
0x16: {  	_ =	swait.ge [sflag:s11], $0x200  }
0x17: {  	[sflag:s11] =	ssyncset.done $0x0  }
0x18: {  	s25 =	simm.s32 $0x8C00;
	[sflag:s11] =	ssyncadd.s32 $0xFFFFFE00  }
0x19: {  	[tilespmem:s25], [sflag:$0x2] =	stream.linear.gather [hbm4b:s6+s2], $0x10, $0x38;
	[tilespmem:$0x8C10] =	vst v63  }
0x1a: {  	_ =	swait.ge [sflag:s11], $0x10  }
0x1b: {  	[sflag:s11] =	ssyncset.done $0x0  }
0x1c: {  	s25 =	simm.s32 $0x0;
	[sflag:s11] =	ssyncadd.s32 $0xFFFFFFF0  }
0x1d: {  	s26 =	simm.s32 $0x40;
	v1 =	vld [tilespmem:s25+$0x200]  }
.LBB2_2:
0x1e: {  	p0 =	sne.s32 s26, $0x7C0  }
.Ltmp0:
0x1f: {  	_ = 	snop;
	(pc) =	sbr.rel @p0 .LBB2_2-.Ltmp0, $3  }
0x20: {  	_ =	sdelay $0x1  }
0x21: {  	s28 =	sshra.s32 s26, $0x2;
	s26 =	sadd.s32 $0x40, s26;
	v2 =	vadd.s32 $0xF4240, v1  }
0x22: {  	v1 =	vld [tilespmem:s28+$0x200];
	[tilespmem:s25+$0x400] =	vst v2;
	s25 =	smov.u32 s28  }
0x23: {  	_ =	sdelay $0x3  }
0x24: {  	v1 =	vadd.s32 $0xF4240, v1  }
0x25: {  	s28 =	simm.s32 $0x0;
	[tilespmem:s25+$0x400] =	vst v1  }
0x26: {  	[tilespmem:s15], [sflag:$0x1] =	stream.indirect.gather [hbm4b:s4+s14], $0x20, s28, s14, $0xb8;
	[tilespmem:$0x8C10] =	vst v63  }
0x27: {  	_ = 	snop  }
0x28: {  	[tilespmem:s16], [sflag:$0x1] =	stream.indirect.gather [hbm4b:s5+s14], $0x20, s12, s14, $0xb8;
	[tilespmem:$0x8C10] =	vst v63  }
0x29: {  	s26 =	simm.s32 $0x8600  }
0x2a: {  	[tilespmem:s26], [sflag:$0x1] =	stream.indirect.gather [hbm4b:s1+s14], $0x1, s28, s14, $0xb8;
	[tilespmem:$0x8C10] =	vst v63  }
0x2b: {  	s29 =	simm.s32 $0x400;
	s25 =	simm.s32 $0x8800  }
0x2c: {  	[tilespmem:s25], [sflag:$0x1] =	stream.indirect.gather [hbm4b:s1+s14], $0x1, s29, s14, $0xb8;
	[tilespmem:$0x8C10] =	vst v63  }
0x2d: {  	s29 =	simm.s32 $0x1600  }
0x2e: {  	[tilespmem:s29], [sflag:$0x1] =	stream.indirect.gather [hbm4b:s4+s14], $0x20, s14, s14, $0xb8;
	[tilespmem:$0x8C10] =	vst v63  }
0x2f: {  	s30 =	simm.s32 $0x5600;
	s29 =	simm.s32 $0x280  }
0x30: {  	[tilespmem:s30], [sflag:$0x1] =	stream.indirect.gather [hbm4b:s5+s14], $0x20, s29, s14, $0xb8;
	[tilespmem:$0x8C10] =	vst v63  }
0x31: {  	s29 =	simm.s32 $0x8680  }
0x32: {  	[tilespmem:s29], [sflag:$0x1] =	stream.indirect.gather [hbm4b:s1+s14], $0x1, s14, s14, $0xb8;
	[tilespmem:$0x8C10] =	vst v63  }
0x33: {  	s30 =	simm.s32 $0x8880;
	s29 =	simm.s32 $0x480  }
0x34: {  	[tilespmem:s30], [sflag:$0x1] =	stream.indirect.gather [hbm4b:s1+s14], $0x1, s29, s14, $0xb8;
	[tilespmem:$0x8C10] =	vst v63  }
0x35: {  	s29 =	simm.s32 $0x2600  }
0x36: {  	[tilespmem:s29], [sflag:$0x1] =	stream.indirect.gather [hbm4b:s4+s14], $0x20, s24, s14, $0xb8;
	[tilespmem:$0x8C10] =	vst v63  }
0x37: {  	s30 =	simm.s32 $0x6600;
	s29 =	simm.s32 $0x300  }
0x38: {  	[tilespmem:s30], [sflag:$0x1] =	stream.indirect.gather [hbm4b:s5+s14], $0x20, s29, s14, $0xb8;
	[tilespmem:$0x8C10] =	vst v63  }
0x39: {  	s29 =	simm.s32 $0x8700  }
0x3a: {  	[tilespmem:s29], [sflag:$0x1] =	stream.indirect.gather [hbm4b:s1+s14], $0x1, s24, s14, $0xb8;
	[tilespmem:$0x8C10] =	vst v63  }
0x3b: {  	s29 =	simm.s32 $0x500  }
0x3c: {  	[tilespmem:s31], [sflag:$0x1] =	stream.indirect.gather [hbm4b:s1+s14], $0x1, s29, s14, $0xb8;
	[tilespmem:$0x8C10] =	vst v63  }
0x3d: {  	_ = 	snop  }
0x3e: {  	[tilespmem:s3], [sflag:$0x1] =	stream.indirect.gather [hbm4b:s4+s14], $0x20, s0, s14, $0xb8;
	[tilespmem:$0x8C10] =	vst v63  }
0x3f: {  	_ = 	snop  }
0x40: {  	[tilespmem:s17], [sflag:$0x1] =	stream.indirect.gather [hbm4b:s5+s14], $0x20, s13, s14, $0xb8;
	[tilespmem:$0x8C10] =	vst v63  }
0x41: {  	_ = 	snop  }
0x42: {  	[tilespmem:s18], [sflag:$0x1] =	stream.indirect.gather [hbm4b:s1+s14], $0x1, s0, s14, $0xb8;
	[tilespmem:$0x8C10] =	vst v63  }
0x43: {  	_ = 	snop  }
0x44: {  	[tilespmem:s20], [sflag:$0x1] =	stream.indirect.gather [hbm4b:s1+s14], $0x1, s19, s14, $0xb8;
	[tilespmem:$0x8C10] =	vst v63  }
0x45: {  	_ =	swait.ge [sflag:s21], $0x1000  }
0x46: {  	[sflag:s21] =	ssyncset.done $0x0  }
0x47: {  	[sflag:s21] =	ssyncadd.s32 $0xFFFFF000  }
0x48: {  	_ =	swait.ge [sflag:s21], $0x1000  }
0x49: {  	[sflag:s21] =	ssyncset.done $0x0  }
0x4a: {  	[sflag:s21] =	ssyncadd.s32 $0xFFFFF000  }
0x4b: {  	_ =	swait.ge [sflag:s21], $0x80  }
0x4c: {  	[sflag:s21] =	ssyncset.done $0x0  }
0x4d: {  	[sflag:s21] =	ssyncadd.s32 $0xFFFFFF80  }
0x4e: {  	_ =	swait.ge [sflag:s21], $0x80  }
0x4f: {  	[sflag:s21] =	ssyncset.done $0x0  }
0x50: {  	[sflag:s21] =	ssyncadd.s32 $0xFFFFFF80  }
0x51: {  	_ =	swait.ge [sflag:s21], $0x1000  }
0x52: {  	[sflag:s21] =	ssyncset.done $0x0  }
0x53: {  	[sflag:s21] =	ssyncadd.s32 $0xFFFFF000  }
0x54: {  	_ =	swait.ge [sflag:s21], $0x1000  }
0x55: {  	[sflag:s21] =	ssyncset.done $0x0  }
0x56: {  	[sflag:s21] =	ssyncadd.s32 $0xFFFFF000  }
0x57: {  	_ =	swait.ge [sflag:s21], $0x80  }
0x58: {  	[sflag:s21] =	ssyncset.done $0x0  }
0x59: {  	[sflag:s21] =	ssyncadd.s32 $0xFFFFFF80  }
0x5a: {  	_ =	swait.ge [sflag:s21], $0x80  }
0x5b: {  	[sflag:s21] =	ssyncset.done $0x0  }
0x5c: {  	[sflag:s21] =	ssyncadd.s32 $0xFFFFFF80  }
0x5d: {  	_ =	swait.ge [sflag:s21], $0x1000  }
0x5e: {  	[sflag:s21] =	ssyncset.done $0x0  }
0x5f: {  	[sflag:s21] =	ssyncadd.s32 $0xFFFFF000  }
0x60: {  	_ =	swait.ge [sflag:s21], $0x1000  }
0x61: {  	[sflag:s21] =	ssyncset.done $0x0  }
0x62: {  	[sflag:s21] =	ssyncadd.s32 $0xFFFFF000  }
0x63: {  	_ =	swait.ge [sflag:s21], $0x80  }
0x64: {  	[sflag:s21] =	ssyncset.done $0x0  }
0x65: {  	[sflag:s21] =	ssyncadd.s32 $0xFFFFFF80  }
0x66: {  	_ =	swait.ge [sflag:s21], $0x80  }
0x67: {  	[sflag:s21] =	ssyncset.done $0x0  }
0x68: {  	[sflag:s21] =	ssyncadd.s32 $0xFFFFFF80  }
0x69: {  	_ =	swait.ge [sflag:s21], $0x1000  }
0x6a: {  	[sflag:s21] =	ssyncset.done $0x0  }
0x6b: {  	[sflag:s21] =	ssyncadd.s32 $0xFFFFF000  }
0x6c: {  	_ =	swait.ge [sflag:s21], $0x1000  }
0x6d: {  	[sflag:s21] =	ssyncset.done $0x0  }
0x6e: {  	[sflag:s21] =	ssyncadd.s32 $0xFFFFF000  }
0x6f: {  	v1 =	vmov s28;
	_ =	swait.ge [sflag:s21], $0x80  }
0x70: {  	v1 =	vshll.u32 v1, $0x5;
	[sflag:s21] =	ssyncset.done $0x0  }
0x71: {  	v2 =	vor.u32 v0, v1;
	[sflag:s21] =	ssyncadd.s32 $0xFFFFFF80  }
0x72: {  	_ =	swait.ge [sflag:s21], $0x80  }
0x73: {  	[sflag:s21] =	ssyncset.done $0x0  }
0x74: {  	[sflag:s21] =	ssyncadd.s32 $0xFFFFFF80  }
0x75: {  	v3 =	vor.u32 $0x1, v2;
	v1 =	vld [tilespmem:$0x8C00]  }
0x76: {  	v4 =	vld.idx.msk [tilespmem:v2+s15+$0x0], $0xffff  }
0x77: {  	v5 =	vor.u32 $0x2, v2;
	v6 =	vld [tilespmem:s26+$0x0]  }
0x78: {  	v7 =	vld.idx.msk [tilespmem:v2+s16+$0x0], $0xffff  }
0x79: {  	v8 =	vor.u32 $0x3, v2;
	v9 =	vld [tilespmem:s25+$0x0]  }
0x7a: {  	v10 =	vld.idx.msk [tilespmem:v3+s15+$0x0], $0xffff  }
0x7b: {  	v11 =	vor.u32 $0x4, v2;
	v3 =	vld.idx.msk [tilespmem:v3+s16+$0x0], $0xffff  }
0x7c: {  	v12 =	vld.idx.msk [tilespmem:v5+s15+$0x0], $0xffff;
	v6 =	vadd.f32 v6, v1  }
0x7d: {  	v13 =	vor.u32 $0x5, v2;
	v5 =	vld.idx.msk [tilespmem:v5+s16+$0x0], $0xffff  }
0x7e: {  	v14 =	vld.idx.msk [tilespmem:v8+s15+$0x0], $0xffff;
	v4 =	vmul.f32 v7, v4;
	v6 =	vadd.f32 v9, v6  }
0x7f: {  	v47 =	vor.u32 $0x6, v2;
	v7 =	vld.idx.msk [tilespmem:v8+s16+$0x0], $0xffff  }
0x80: {  	v48 =	vld.idx.msk [tilespmem:v11+s15+$0x0], $0xffff;
	v3 =	vmul.f32 v3, v10;
	v4 =	vadd.f32 v4, v6  }
0x81: {  	v49 =	vor.u32 $0x7, v2;
	v6 =	vld.idx.msk [tilespmem:v11+s16+$0x0], $0xffff  }
0x82: {  	v50 =	vld.idx.msk [tilespmem:v13+s15+$0x0], $0xffff;
	v3 =	vadd.f32 v3, v4;
	v4 =	vmul.f32 v5, v12  }
0x83: {  	v51 =	vor.u32 $0x8, v2;
	v5 =	vld.idx.msk [tilespmem:v13+s16+$0x0], $0xffff  }
0x84: {  	v52 =	vld.idx.msk [tilespmem:v47+s15+$0x0], $0xffff;
	v3 =	vadd.f32 v4, v3;
	v4 =	vmul.f32 v7, v14  }
0x85: {  	v53 =	vor.u32 $0x9, v2;
	v7 =	vld.idx.msk [tilespmem:v47+s16+$0x0], $0xffff  }
0x86: {  	v54 =	vld.idx.msk [tilespmem:v49+s15+$0x0], $0xffff;
	v3 =	vadd.f32 v4, v3;
	v4 =	vmul.f32 v6, v48  }
0x87: {  	v55 =	vor.u32 $0xA, v2;
	v6 =	vld.idx.msk [tilespmem:v49+s16+$0x0], $0xffff  }
0x88: {  	v56 =	vld.idx.msk [tilespmem:v51+s15+$0x0], $0xffff;
	v3 =	vadd.f32 v4, v3;
	v4 =	vmul.f32 v5, v50  }
0x89: {  	v57 =	vor.u32 $0xB, v2;
	v5 =	vld.idx.msk [tilespmem:v51+s16+$0x0], $0xffff  }
0x8a: {  	v58 =	vld.idx.msk [tilespmem:v53+s15+$0x0], $0xffff;
	v3 =	vadd.f32 v4, v3;
	v4 =	vmul.f32 v7, v52  }
0x8b: {  	v59 =	vor.u32 $0xC, v2;
	v7 =	vld.idx.msk [tilespmem:v53+s16+$0x0], $0xffff  }
0x8c: {  	v60 =	vld.idx.msk [tilespmem:v55+s15+$0x0], $0xffff;
	v3 =	vadd.f32 v4, v3;
	v4 =	vmul.f32 v6, v54  }
0x8d: {  	v61 =	vor.u32 $0xD, v2;
	v6 =	vld.idx.msk [tilespmem:v55+s16+$0x0], $0xffff  }
0x8e: {  	v62 =	vld.idx.msk [tilespmem:v57+s15+$0x0], $0xffff;
	v3 =	vadd.f32 v4, v3;
	v4 =	vmul.f32 v5, v56  }
0x8f: {  	v63 =	vor.u32 $0xE, v2;
	v5 =	vld.idx.msk [tilespmem:v57+s16+$0x0], $0xffff  }
0x90: {  	v16 =	vld.idx.msk [tilespmem:v59+s15+$0x0], $0xffff;
	v3 =	vadd.f32 v4, v3;
	v4 =	vmul.f32 v7, v58  }
0x91: {  	v17 =	vor.u32 $0xF, v2;
	v7 =	vld.idx.msk [tilespmem:v59+s16+$0x0], $0xffff  }
0x92: {  	v18 =	vld.idx.msk [tilespmem:v61+s15+$0x0], $0xffff;
	v3 =	vadd.f32 v4, v3;
	v4 =	vmul.f32 v6, v60  }
0x93: {  	v19 =	vor.u32 $0x10, v2;
	v6 =	vld.idx.msk [tilespmem:v61+s16+$0x0], $0xffff  }
0x94: {  	v20 =	vld.idx.msk [tilespmem:v63+s15+$0x0], $0xffff;
	v3 =	vadd.f32 v4, v3;
	v4 =	vmul.f32 v5, v62  }
0x95: {  	v21 =	vor.u32 $0x11, v2;
	v5 =	vld.idx.msk [tilespmem:v63+s16+$0x0], $0xffff  }
0x96: {  	v22 =	vld.idx.msk [tilespmem:v17+s15+$0x0], $0xffff;
	v3 =	vadd.f32 v4, v3;
	v4 =	vmul.f32 v7, v16  }
0x97: {  	v23 =	vor.u32 $0x12, v2;
	v7 =	vld.idx.msk [tilespmem:v17+s16+$0x0], $0xffff  }
0x98: {  	v24 =	vld.idx.msk [tilespmem:v19+s15+$0x0], $0xffff;
	v3 =	vadd.f32 v4, v3;
	v4 =	vmul.f32 v6, v18  }
0x99: {  	v25 =	vor.u32 $0x13, v2;
	v6 =	vld.idx.msk [tilespmem:v19+s16+$0x0], $0xffff  }
0x9a: {  	v26 =	vld.idx.msk [tilespmem:v21+s15+$0x0], $0xffff;
	v3 =	vadd.f32 v4, v3;
	v4 =	vmul.f32 v5, v20  }
0x9b: {  	v27 =	vor.u32 $0x14, v2;
	v5 =	vld.idx.msk [tilespmem:v21+s16+$0x0], $0xffff  }
0x9c: {  	v28 =	vld.idx.msk [tilespmem:v23+s15+$0x0], $0xffff;
	v3 =	vadd.f32 v4, v3;
	v4 =	vmul.f32 v7, v22  }
0x9d: {  	v29 =	vor.u32 $0x15, v2;
	v7 =	vld.idx.msk [tilespmem:v23+s16+$0x0], $0xffff  }
0x9e: {  	v30 =	vld.idx.msk [tilespmem:v25+s15+$0x0], $0xffff;
	v3 =	vadd.f32 v4, v3;
	v4 =	vmul.f32 v6, v24  }
0x9f: {  	v31 =	vor.u32 $0x16, v2;
	v6 =	vld.idx.msk [tilespmem:v25+s16+$0x0], $0xffff  }
0xa0: {  	v32 =	vld.idx.msk [tilespmem:v27+s15+$0x0], $0xffff;
	v3 =	vadd.f32 v4, v3;
	v4 =	vmul.f32 v5, v26  }
0xa1: {  	v33 =	vor.u32 $0x17, v2;
	v5 =	vld.idx.msk [tilespmem:v27+s16+$0x0], $0xffff  }
0xa2: {  	v34 =	vld.idx.msk [tilespmem:v29+s15+$0x0], $0xffff;
	v3 =	vadd.f32 v4, v3;
	v4 =	vmul.f32 v7, v28  }
0xa3: {  	v35 =	vor.u32 $0x18, v2;
	v7 =	vld.idx.msk [tilespmem:v29+s16+$0x0], $0xffff  }
0xa4: {  	v36 =	vld.idx.msk [tilespmem:v31+s15+$0x0], $0xffff;
	v3 =	vadd.f32 v4, v3;
	v4 =	vmul.f32 v6, v30  }
0xa5: {  	v37 =	vor.u32 $0x19, v2;
	v6 =	vld.idx.msk [tilespmem:v31+s16+$0x0], $0xffff  }
0xa6: {  	v38 =	vld.idx.msk [tilespmem:v33+s15+$0x0], $0xffff;
	v3 =	vadd.f32 v4, v3;
	v4 =	vmul.f32 v5, v32  }
0xa7: {  	v39 =	vor.u32 $0x1A, v2;
	v5 =	vld.idx.msk [tilespmem:v33+s16+$0x0], $0xffff  }
0xa8: {  	v40 =	vld.idx.msk [tilespmem:v35+s15+$0x0], $0xffff;
	v3 =	vadd.f32 v4, v3;
	v4 =	vmul.f32 v7, v34  }
0xa9: {  	v41 =	vor.u32 $0x1B, v2;
	v7 =	vld.idx.msk [tilespmem:v35+s16+$0x0], $0xffff  }
0xaa: {  	v42 =	vld.idx.msk [tilespmem:v37+s15+$0x0], $0xffff;
	v3 =	vadd.f32 v4, v3;
	v4 =	vmul.f32 v6, v36  }
0xab: {  	v43 =	vor.u32 $0x1C, v2;
	v6 =	vld.idx.msk [tilespmem:v37+s16+$0x0], $0xffff  }
0xac: {  	v44 =	vld.idx.msk [tilespmem:v39+s15+$0x0], $0xffff;
	v3 =	vadd.f32 v4, v3;
	v4 =	vmul.f32 v5, v38  }
0xad: {  	v45 =	vor.u32 $0x1D, v2;
	v5 =	vld.idx.msk [tilespmem:v39+s16+$0x0], $0xffff  }
0xae: {  	v46 =	vld.idx.msk [tilespmem:v41+s15+$0x0], $0xffff;
	v3 =	vadd.f32 v4, v3;
	v4 =	vmul.f32 v7, v40  }
0xaf: {  	v47 =	vor.u32 $0x1E, v2;
	v7 =	vld.idx.msk [tilespmem:v41+s16+$0x0], $0xffff  }
0xb0: {  	v48 =	vld.idx.msk [tilespmem:v43+s15+$0x0], $0xffff;
	v3 =	vadd.f32 v4, v3;
	v4 =	vmul.f32 v6, v42  }
0xb1: {  	v2 =	vor.u32 $0x1F, v2;
	v6 =	vld.idx.msk [tilespmem:v43+s16+$0x0], $0xffff  }
0xb2: {  	v49 =	vld.idx.msk [tilespmem:v45+s15+$0x0], $0xffff;
	v3 =	vadd.f32 v4, v3;
	v4 =	vmul.f32 v5, v44  }
0xb3: {  	v5 =	vld.idx.msk [tilespmem:v45+s16+$0x0], $0xffff  }
0xb4: {  	v50 =	vld.idx.msk [tilespmem:v47+s15+$0x0], $0xffff;
	v3 =	vadd.f32 v4, v3;
	v4 =	vmul.f32 v7, v46  }
0xb5: {  	v7 =	vld.idx.msk [tilespmem:v47+s16+$0x0], $0xffff  }
0xb6: {  	v51 =	vld.idx.msk [tilespmem:v2+s15+$0x0], $0xffff;
	v3 =	vadd.f32 v4, v3;
	v4 =	vmul.f32 v6, v48  }
0xb7: {  	v6 =	vld.idx.msk [tilespmem:v2+s16+$0x0], $0xffff  }
0xb8: {  	v2 =	vadd.f32 v4, v3;
	v3 =	vmul.f32 v5, v49  }
0xb9: {  	s30 =	simm.s32 $0x10  }
0xba: {  	v4 =	vmov s30;
	v5 =	vmul.f32 v7, v50;
	v3 =	vadd.f32 v3, v2  }
0xbb: {  	v2 =	vshll.u32 v4, $0x5  }
0xbc: {  	v2 =	vor.u32 v0, v2;
	v4 =	vmul.f32 v6, v51;
	v3 =	vadd.f32 v5, v3;
	_ =	sdelay $0x1  }
0xbd: {  	v3 =	vadd.f32 v4, v3  }
0xbe: {  	s25 =	simm.s32 $0x8A00  }
0xbf: {  	v4 =	vor.u32 $0x1, v2;
	[tilespmem:s25+$0x0] =	vst v3  }
0xc0: {  	s26 =	simm.s32 $0x8610;
	v3 =	vld.idx.msk [tilespmem:v2+s15+$0x0], $0xffff  }
0xc1: {  	v5 =	vor.u32 $0x2, v2;
	v6 =	vld [tilespmem:s26+$0x0]  }
0xc2: {  	s28 =	simm.s32 $0x8810;
	v7 =	vld.idx.msk [tilespmem:v2+s16+$0x0], $0xffff  }
0xc3: {  	v52 =	vor.u32 $0x3, v2;
	v53 =	vld [tilespmem:s28+$0x0]  }
0xc4: {  	v54 =	vld.idx.msk [tilespmem:v4+s15+$0x0], $0xffff  }
0xc5: {  	v55 =	vor.u32 $0x4, v2;
	v4 =	vld.idx.msk [tilespmem:v4+s16+$0x0], $0xffff  }
0xc6: {  	v56 =	vld.idx.msk [tilespmem:v5+s15+$0x0], $0xffff;
	v6 =	vadd.f32 v6, v1  }
0xc7: {  	v57 =	vor.u32 $0x5, v2;
	v5 =	vld.idx.msk [tilespmem:v5+s16+$0x0], $0xffff  }
0xc8: {  	v58 =	vld.idx.msk [tilespmem:v52+s15+$0x0], $0xffff;
	v3 =	vmul.f32 v7, v3;
	v6 =	vadd.f32 v53, v6  }
0xc9: {  	v59 =	vor.u32 $0x6, v2;
	v7 =	vld.idx.msk [tilespmem:v52+s16+$0x0], $0xffff  }
0xca: {  	v60 =	vld.idx.msk [tilespmem:v55+s15+$0x0], $0xffff;
	v4 =	vmul.f32 v4, v54;
	v3 =	vadd.f32 v3, v6  }
0xcb: {  	v61 =	vor.u32 $0x7, v2;
	v6 =	vld.idx.msk [tilespmem:v55+s16+$0x0], $0xffff  }
0xcc: {  	v62 =	vld.idx.msk [tilespmem:v57+s15+$0x0], $0xffff;
	v3 =	vadd.f32 v4, v3;
	v4 =	vmul.f32 v5, v56  }
0xcd: {  	v63 =	vor.u32 $0x8, v2;
	v5 =	vld.idx.msk [tilespmem:v57+s16+$0x0], $0xffff  }
0xce: {  	v16 =	vld.idx.msk [tilespmem:v59+s15+$0x0], $0xffff;
	v3 =	vadd.f32 v4, v3;
	v4 =	vmul.f32 v7, v58  }
0xcf: {  	v17 =	vor.u32 $0x9, v2;
	v7 =	vld.idx.msk [tilespmem:v59+s16+$0x0], $0xffff  }
0xd0: {  	v18 =	vld.idx.msk [tilespmem:v61+s15+$0x0], $0xffff;
	v3 =	vadd.f32 v4, v3;
	v4 =	vmul.f32 v6, v60  }
0xd1: {  	v19 =	vor.u32 $0xA, v2;
	v6 =	vld.idx.msk [tilespmem:v61+s16+$0x0], $0xffff  }
0xd2: {  	v20 =	vld.idx.msk [tilespmem:v63+s15+$0x0], $0xffff;
	v3 =	vadd.f32 v4, v3;
	v4 =	vmul.f32 v5, v62  }
0xd3: {  	v21 =	vor.u32 $0xB, v2;
	v5 =	vld.idx.msk [tilespmem:v63+s16+$0x0], $0xffff  }
0xd4: {  	v22 =	vld.idx.msk [tilespmem:v17+s15+$0x0], $0xffff;
	v3 =	vadd.f32 v4, v3;
	v4 =	vmul.f32 v7, v16  }
0xd5: {  	v23 =	vor.u32 $0xC, v2;
	v7 =	vld.idx.msk [tilespmem:v17+s16+$0x0], $0xffff  }
0xd6: {  	v24 =	vld.idx.msk [tilespmem:v19+s15+$0x0], $0xffff;
	v3 =	vadd.f32 v4, v3;
	v4 =	vmul.f32 v6, v18  }
0xd7: {  	v25 =	vor.u32 $0xD, v2;
	v6 =	vld.idx.msk [tilespmem:v19+s16+$0x0], $0xffff  }
0xd8: {  	v26 =	vld.idx.msk [tilespmem:v21+s15+$0x0], $0xffff;
	v3 =	vadd.f32 v4, v3;
	v4 =	vmul.f32 v5, v20  }
0xd9: {  	v27 =	vor.u32 $0xE, v2;
	v5 =	vld.idx.msk [tilespmem:v21+s16+$0x0], $0xffff  }
0xda: {  	v28 =	vld.idx.msk [tilespmem:v23+s15+$0x0], $0xffff;
	v3 =	vadd.f32 v4, v3;
	v4 =	vmul.f32 v7, v22  }
0xdb: {  	v29 =	vor.u32 $0xF, v2;
	v7 =	vld.idx.msk [tilespmem:v23+s16+$0x0], $0xffff  }
0xdc: {  	v30 =	vld.idx.msk [tilespmem:v25+s15+$0x0], $0xffff;
	v3 =	vadd.f32 v4, v3;
	v4 =	vmul.f32 v6, v24  }
0xdd: {  	v31 =	vor.u32 $0x10, v2;
	v6 =	vld.idx.msk [tilespmem:v25+s16+$0x0], $0xffff  }
0xde: {  	v32 =	vld.idx.msk [tilespmem:v27+s15+$0x0], $0xffff;
	v3 =	vadd.f32 v4, v3;
	v4 =	vmul.f32 v5, v26  }
0xdf: {  	v33 =	vor.u32 $0x11, v2;
	v5 =	vld.idx.msk [tilespmem:v27+s16+$0x0], $0xffff  }
0xe0: {  	v34 =	vld.idx.msk [tilespmem:v29+s15+$0x0], $0xffff;
	v3 =	vadd.f32 v4, v3;
	v4 =	vmul.f32 v7, v28  }
0xe1: {  	v35 =	vor.u32 $0x12, v2;
	v7 =	vld.idx.msk [tilespmem:v29+s16+$0x0], $0xffff  }
0xe2: {  	v36 =	vld.idx.msk [tilespmem:v31+s15+$0x0], $0xffff;
	v3 =	vadd.f32 v4, v3;
	v4 =	vmul.f32 v6, v30  }
0xe3: {  	v37 =	vor.u32 $0x13, v2;
	v6 =	vld.idx.msk [tilespmem:v31+s16+$0x0], $0xffff  }
0xe4: {  	v38 =	vld.idx.msk [tilespmem:v33+s15+$0x0], $0xffff;
	v3 =	vadd.f32 v4, v3;
	v4 =	vmul.f32 v5, v32  }
0xe5: {  	v39 =	vor.u32 $0x14, v2;
	v5 =	vld.idx.msk [tilespmem:v33+s16+$0x0], $0xffff  }
0xe6: {  	v40 =	vld.idx.msk [tilespmem:v35+s15+$0x0], $0xffff;
	v3 =	vadd.f32 v4, v3;
	v4 =	vmul.f32 v7, v34  }
0xe7: {  	v41 =	vor.u32 $0x15, v2;
	v7 =	vld.idx.msk [tilespmem:v35+s16+$0x0], $0xffff  }
0xe8: {  	v42 =	vld.idx.msk [tilespmem:v37+s15+$0x0], $0xffff;
	v3 =	vadd.f32 v4, v3;
	v4 =	vmul.f32 v6, v36  }
0xe9: {  	v43 =	vor.u32 $0x16, v2;
	v6 =	vld.idx.msk [tilespmem:v37+s16+$0x0], $0xffff  }
0xea: {  	v44 =	vld.idx.msk [tilespmem:v39+s15+$0x0], $0xffff;
	v3 =	vadd.f32 v4, v3;
	v4 =	vmul.f32 v5, v38  }
0xeb: {  	v45 =	vor.u32 $0x17, v2;
	v5 =	vld.idx.msk [tilespmem:v39+s16+$0x0], $0xffff  }
0xec: {  	v46 =	vld.idx.msk [tilespmem:v41+s15+$0x0], $0xffff;
	v3 =	vadd.f32 v4, v3;
	v4 =	vmul.f32 v7, v40  }
0xed: {  	v47 =	vor.u32 $0x18, v2;
	v7 =	vld.idx.msk [tilespmem:v41+s16+$0x0], $0xffff  }
0xee: {  	v48 =	vld.idx.msk [tilespmem:v43+s15+$0x0], $0xffff;
	v3 =	vadd.f32 v4, v3;
	v4 =	vmul.f32 v6, v42  }
0xef: {  	v49 =	vor.u32 $0x19, v2;
	v6 =	vld.idx.msk [tilespmem:v43+s16+$0x0], $0xffff  }
0xf0: {  	v50 =	vld.idx.msk [tilespmem:v45+s15+$0x0], $0xffff;
	v3 =	vadd.f32 v4, v3;
	v4 =	vmul.f32 v5, v44  }
0xf1: {  	v51 =	vor.u32 $0x1A, v2;
	v5 =	vld.idx.msk [tilespmem:v45+s16+$0x0], $0xffff  }
0xf2: {  	v52 =	vld.idx.msk [tilespmem:v47+s15+$0x0], $0xffff;
	v3 =	vadd.f32 v4, v3;
	v4 =	vmul.f32 v7, v46  }
0xf3: {  	v53 =	vor.u32 $0x1B, v2;
	v7 =	vld.idx.msk [tilespmem:v47+s16+$0x0], $0xffff  }
0xf4: {  	v54 =	vld.idx.msk [tilespmem:v49+s15+$0x0], $0xffff;
	v3 =	vadd.f32 v4, v3;
	v4 =	vmul.f32 v6, v48  }
0xf5: {  	v55 =	vor.u32 $0x1C, v2;
	v6 =	vld.idx.msk [tilespmem:v49+s16+$0x0], $0xffff  }
0xf6: {  	v56 =	vld.idx.msk [tilespmem:v51+s15+$0x0], $0xffff;
	v3 =	vadd.f32 v4, v3;
	v4 =	vmul.f32 v5, v50  }
0xf7: {  	v57 =	vor.u32 $0x1D, v2;
	v5 =	vld.idx.msk [tilespmem:v51+s16+$0x0], $0xffff  }
0xf8: {  	v58 =	vld.idx.msk [tilespmem:v53+s15+$0x0], $0xffff;
	v3 =	vadd.f32 v4, v3;
	v4 =	vmul.f32 v7, v52  }
0xf9: {  	v59 =	vor.u32 $0x1E, v2;
	v7 =	vld.idx.msk [tilespmem:v53+s16+$0x0], $0xffff  }
0xfa: {  	v60 =	vld.idx.msk [tilespmem:v55+s15+$0x0], $0xffff;
	v3 =	vadd.f32 v4, v3;
	v4 =	vmul.f32 v6, v54  }
0xfb: {  	v2 =	vor.u32 $0x1F, v2;
	v6 =	vld.idx.msk [tilespmem:v55+s16+$0x0], $0xffff  }
0xfc: {  	v61 =	vld.idx.msk [tilespmem:v57+s15+$0x0], $0xffff;
	v3 =	vadd.f32 v4, v3;
	v4 =	vmul.f32 v5, v56  }
0xfd: {  	v5 =	vld.idx.msk [tilespmem:v57+s16+$0x0], $0xffff  }
0xfe: {  	v62 =	vld.idx.msk [tilespmem:v59+s15+$0x0], $0xffff;
	v3 =	vadd.f32 v4, v3;
	v4 =	vmul.f32 v7, v58  }
0xff: {  	v7 =	vld.idx.msk [tilespmem:v59+s16+$0x0], $0xffff  }
0x100: {  	v63 =	vld.idx.msk [tilespmem:v2+s15+$0x0], $0xffff;
	v3 =	vadd.f32 v4, v3;
	v4 =	vmul.f32 v6, v60  }
0x101: {  	v6 =	vld.idx.msk [tilespmem:v2+s16+$0x0], $0xffff  }
0x102: {  	s29 =	simm.s32 $0x20;
	v2 =	vadd.f32 v4, v3;
	v3 =	vmul.f32 v5, v61  }
0x103: {  	v4 =	vmov s29  }
0x104: {  	v4 =	vshll.u32 v4, $0x5;
	v7 =	vmul.f32 v7, v62;
	v5 =	vadd.f32 v3, v2  }
0x105: {  	v2 =	vor.u32 v0, v4  }
0x106: {  	v3 =	vor.u32 $0x1, v2;
	v4 =	vadd.f32 v7, v5;
	v5 =	vmul.f32 v6, v63  }
0x107: {  	s29 =	simm.s32 $0x30  }
.LBB2_4:
0x108: {  	p0 =	sne.s32 s29, $0x1F0;
	v4 =	vadd.f32 v5, v4  }
0x109: {  	s25 =	sadd.s32 $0x10, s25  }
0x10a: {  	[tilespmem:s25+$0x0] =	vst v4  }
0x10b: {  	v4 =	vld.idx.msk [tilespmem:v3+s15+$0x0], $0xffff  }
0x10c: {  	v6 =	vor.u32 $0x2, v2;
	s26 =	sadd.s32 $0x10, s26;
	v5 =	vld.idx.msk [tilespmem:v2+s15+$0x0], $0xffff  }
0x10d: {  	v7 =	vld [tilespmem:s26+$0x0]  }
0x10e: {  	v9 =	vor.u32 $0x3, v2;
	s28 =	sadd.s32 $0x10, s28;
	v8 =	vld.idx.msk [tilespmem:v2+s16+$0x0], $0xffff  }
0x10f: {  	v10 =	vld [tilespmem:s28+$0x0]  }
0x110: {  	v11 =	vor.u32 $0x4, v2;
	v3 =	vld.idx.msk [tilespmem:v3+s16+$0x0], $0xffff  }
0x111: {  	v12 =	vld.idx.msk [tilespmem:v6+s15+$0x0], $0xffff  }
0x112: {  	v13 =	vor.u32 $0x5, v2;
	v7 =	vadd.f32 v7, v1;
	v6 =	vld.idx.msk [tilespmem:v6+s16+$0x0], $0xffff  }
0x113: {  	v14 =	vld.idx.msk [tilespmem:v9+s15+$0x0], $0xffff  }
0x114: {  	v5 =	vmul.f32 v8, v5;
	v7 =	vadd.f32 v10, v7;
	v8 =	vld.idx.msk [tilespmem:v9+s16+$0x0], $0xffff;
	v9 =	vor.u32 $0x6, v2  }
0x115: {  	v10 =	vld.idx.msk [tilespmem:v11+s15+$0x0], $0xffff  }
0x116: {  	v3 =	vmul.f32 v3, v4;
	v5 =	vadd.f32 v5, v7;
	v4 =	vld.idx.msk [tilespmem:v11+s16+$0x0], $0xffff;
	v7 =	vor.u32 $0x7, v2  }
0x117: {  	v11 =	vld.idx.msk [tilespmem:v13+s15+$0x0], $0xffff  }
0x118: {  	v3 =	vadd.f32 v3, v5;
	v5 =	vmul.f32 v6, v12;
	v6 =	vld.idx.msk [tilespmem:v13+s16+$0x0], $0xffff;
	v12 =	vor.u32 $0x8, v2  }
0x119: {  	v13 =	vld.idx.msk [tilespmem:v9+s15+$0x0], $0xffff  }
0x11a: {  	v3 =	vadd.f32 v5, v3;
	v5 =	vmul.f32 v8, v14;
	v8 =	vld.idx.msk [tilespmem:v9+s16+$0x0], $0xffff;
	v9 =	vor.u32 $0x9, v2  }
0x11b: {  	v14 =	vld.idx.msk [tilespmem:v7+s15+$0x0], $0xffff  }
0x11c: {  	v4 =	vmul.f32 v4, v10;
	v3 =	vadd.f32 v5, v3;
	v5 =	vld.idx.msk [tilespmem:v7+s16+$0x0], $0xffff;
	v7 =	vor.u32 $0xA, v2  }
0x11d: {  	v10 =	vld.idx.msk [tilespmem:v12+s15+$0x0], $0xffff  }
0x11e: {  	v3 =	vadd.f32 v4, v3;
	v4 =	vmul.f32 v6, v11;
	v6 =	vld.idx.msk [tilespmem:v12+s16+$0x0], $0xffff;
	v11 =	vor.u32 $0xB, v2  }
0x11f: {  	v12 =	vld.idx.msk [tilespmem:v9+s15+$0x0], $0xffff  }
0x120: {  	v3 =	vadd.f32 v4, v3;
	v4 =	vmul.f32 v8, v13;
	v8 =	vld.idx.msk [tilespmem:v9+s16+$0x0], $0xffff;
	v9 =	vor.u32 $0xC, v2  }
0x121: {  	v13 =	vld.idx.msk [tilespmem:v7+s15+$0x0], $0xffff  }
0x122: {  	v3 =	vadd.f32 v4, v3;
	v4 =	vmul.f32 v5, v14;
	v5 =	vld.idx.msk [tilespmem:v7+s16+$0x0], $0xffff;
	v7 =	vor.u32 $0xD, v2  }
0x123: {  	v14 =	vld.idx.msk [tilespmem:v11+s15+$0x0], $0xffff  }
0x124: {  	v3 =	vadd.f32 v4, v3;
	v4 =	vmul.f32 v6, v10;
	v6 =	vld.idx.msk [tilespmem:v11+s16+$0x0], $0xffff;
	v10 =	vor.u32 $0xE, v2  }
0x125: {  	v11 =	vld.idx.msk [tilespmem:v9+s15+$0x0], $0xffff  }
0x126: {  	v3 =	vadd.f32 v4, v3;
	v4 =	vmul.f32 v8, v12;
	v8 =	vld.idx.msk [tilespmem:v9+s16+$0x0], $0xffff;
	v9 =	vor.u32 $0xF, v2  }
0x127: {  	v12 =	vld.idx.msk [tilespmem:v7+s15+$0x0], $0xffff  }
0x128: {  	v3 =	vadd.f32 v4, v3;
	v4 =	vmul.f32 v5, v13;
	v5 =	vld.idx.msk [tilespmem:v7+s16+$0x0], $0xffff;
	v7 =	vor.u32 $0x10, v2  }
0x129: {  	v13 =	vld.idx.msk [tilespmem:v10+s15+$0x0], $0xffff  }
0x12a: {  	v3 =	vadd.f32 v4, v3;
	v4 =	vmul.f32 v6, v14;
	v6 =	vld.idx.msk [tilespmem:v10+s16+$0x0], $0xffff;
	v10 =	vor.u32 $0x11, v2  }
0x12b: {  	v14 =	vld.idx.msk [tilespmem:v9+s15+$0x0], $0xffff  }
0x12c: {  	v3 =	vadd.f32 v4, v3;
	v4 =	vmul.f32 v8, v11;
	v8 =	vld.idx.msk [tilespmem:v9+s16+$0x0], $0xffff;
	v9 =	vor.u32 $0x12, v2  }
0x12d: {  	v11 =	vld.idx.msk [tilespmem:v7+s15+$0x0], $0xffff  }
0x12e: {  	v3 =	vadd.f32 v4, v3;
	v4 =	vmul.f32 v5, v12;
	v5 =	vld.idx.msk [tilespmem:v7+s16+$0x0], $0xffff;
	v7 =	vor.u32 $0x13, v2  }
0x12f: {  	v12 =	vld.idx.msk [tilespmem:v10+s15+$0x0], $0xffff  }
0x130: {  	v3 =	vadd.f32 v4, v3;
	v4 =	vmul.f32 v6, v13;
	v6 =	vld.idx.msk [tilespmem:v10+s16+$0x0], $0xffff;
	v10 =	vor.u32 $0x14, v2  }
0x131: {  	v13 =	vld.idx.msk [tilespmem:v9+s15+$0x0], $0xffff  }
0x132: {  	v3 =	vadd.f32 v4, v3;
	v4 =	vmul.f32 v8, v14;
	v8 =	vld.idx.msk [tilespmem:v9+s16+$0x0], $0xffff;
	v9 =	vor.u32 $0x15, v2  }
0x133: {  	v14 =	vld.idx.msk [tilespmem:v7+s15+$0x0], $0xffff  }
0x134: {  	v3 =	vadd.f32 v4, v3;
	v4 =	vmul.f32 v5, v11;
	v5 =	vld.idx.msk [tilespmem:v7+s16+$0x0], $0xffff;
	v7 =	vor.u32 $0x16, v2  }
0x135: {  	v11 =	vld.idx.msk [tilespmem:v10+s15+$0x0], $0xffff  }
0x136: {  	v3 =	vadd.f32 v4, v3;
	v4 =	vmul.f32 v6, v12;
	v6 =	vld.idx.msk [tilespmem:v10+s16+$0x0], $0xffff;
	v10 =	vor.u32 $0x17, v2  }
0x137: {  	v12 =	vld.idx.msk [tilespmem:v9+s15+$0x0], $0xffff  }
0x138: {  	v3 =	vadd.f32 v4, v3;
	v4 =	vmul.f32 v8, v13;
	v8 =	vld.idx.msk [tilespmem:v9+s16+$0x0], $0xffff;
	v9 =	vor.u32 $0x18, v2  }
0x139: {  	v13 =	vld.idx.msk [tilespmem:v7+s15+$0x0], $0xffff  }
0x13a: {  	v3 =	vadd.f32 v4, v3;
	v4 =	vmul.f32 v5, v14;
	v5 =	vld.idx.msk [tilespmem:v7+s16+$0x0], $0xffff;
	v7 =	vor.u32 $0x19, v2  }
0x13b: {  	v14 =	vld.idx.msk [tilespmem:v10+s15+$0x0], $0xffff  }
0x13c: {  	v3 =	vadd.f32 v4, v3;
	v4 =	vmul.f32 v6, v11;
	v6 =	vld.idx.msk [tilespmem:v10+s16+$0x0], $0xffff;
	v10 =	vor.u32 $0x1A, v2  }
0x13d: {  	v11 =	vld.idx.msk [tilespmem:v9+s15+$0x0], $0xffff  }
0x13e: {  	v3 =	vadd.f32 v4, v3;
	v4 =	vmul.f32 v8, v12;
	v8 =	vld.idx.msk [tilespmem:v9+s16+$0x0], $0xffff;
	v9 =	vor.u32 $0x1B, v2  }
0x13f: {  	v12 =	vld.idx.msk [tilespmem:v7+s15+$0x0], $0xffff  }
0x140: {  	v3 =	vadd.f32 v4, v3;
	v4 =	vmul.f32 v5, v13;
	v5 =	vld.idx.msk [tilespmem:v7+s16+$0x0], $0xffff;
	v7 =	vor.u32 $0x1C, v2  }
0x141: {  	v13 =	vld.idx.msk [tilespmem:v10+s15+$0x0], $0xffff  }
0x142: {  	v3 =	vadd.f32 v4, v3;
	v4 =	vmul.f32 v6, v14;
	v6 =	vld.idx.msk [tilespmem:v10+s16+$0x0], $0xffff;
	v10 =	vor.u32 $0x1D, v2  }
0x143: {  	v14 =	vld.idx.msk [tilespmem:v9+s15+$0x0], $0xffff  }
0x144: {  	v3 =	vadd.f32 v4, v3;
	v4 =	vmul.f32 v8, v11;
	v8 =	vld.idx.msk [tilespmem:v9+s16+$0x0], $0xffff;
	v9 =	vor.u32 $0x1E, v2  }
0x145: {  	v11 =	vld.idx.msk [tilespmem:v7+s15+$0x0], $0xffff  }
0x146: {  	v2 =	vor.u32 $0x1F, v2;
	v3 =	vadd.f32 v4, v3;
	v4 =	vmul.f32 v5, v12;
	v5 =	vld.idx.msk [tilespmem:v7+s16+$0x0], $0xffff  }
0x147: {  	v7 =	vld.idx.msk [tilespmem:v10+s15+$0x0], $0xffff  }
0x148: {  	v3 =	vadd.f32 v4, v3;
	v4 =	vmul.f32 v6, v13;
	v6 =	vld.idx.msk [tilespmem:v10+s16+$0x0], $0xffff  }
0x149: {  	v10 =	vld.idx.msk [tilespmem:v9+s15+$0x0], $0xffff  }
0x14a: {  	v3 =	vadd.f32 v4, v3;
	v4 =	vmul.f32 v8, v14;
	v8 =	vld.idx.msk [tilespmem:v9+s16+$0x0], $0xffff  }
0x14b: {  	v9 =	vld.idx.msk [tilespmem:v2+s15+$0x0], $0xffff  }
0x14c: {  	v3 =	vadd.f32 v4, v3;
	v4 =	vmul.f32 v5, v11;
	v5 =	vld.idx.msk [tilespmem:v2+s16+$0x0], $0xffff;
	_ =	sdelay $0x1  }
0x14d: {  	v2 =	vadd.f32 v4, v3;
	v3 =	vmul.f32 v6, v7  }
.Ltmp1:
0x14e: {  	v4 =	vmov s29;
	(pc) =	sbr.rel @p0 .LBB2_4-.Ltmp1, $4  }
0x14f: {  	v4 =	vshll.u32 v4, $0x5;
	v7 =	vmul.f32 v8, v10;
	v6 =	vadd.f32 v3, v2  }
0x150: {  	v2 =	vor.u32 v0, v4  }
0x151: {  	v3 =	vor.u32 $0x1, v2;
	v5 =	vmul.f32 v5, v9;
	v4 =	vadd.f32 v7, v6  }
0x152: {  	s29 =	sadd.s32 $0x10, s29  }
0x153: {  	_ = 	snop  }
0x154: {  	v4 =	vadd.f32 v5, v4  }
0x155: {  	s25 =	sadd.s32 $0x10, s25  }
0x156: {  	[tilespmem:s25+$0x0] =	vst v4  }
0x157: {  	s26 =	sadd.s32 $0x10, s26;
	v4 =	vld.idx.msk [tilespmem:v2+s15+$0x0], $0xffff  }
0x158: {  	v29 =	vor.u32 $0x2, v2;
	v6 =	vld [tilespmem:s26+$0x0]  }
0x159: {  	s30 =	sadd.s32 $0x10, s28;
	v7 =	vld.idx.msk [tilespmem:v2+s16+$0x0], $0xffff  }
0x15a: {  	v8 =	vor.u32 $0x3, v2;
	v9 =	vld [tilespmem:s30+$0x0]  }
0x15b: {  	v10 =	vld.idx.msk [tilespmem:v3+s15+$0x0], $0xffff  }
0x15c: {  	v11 =	vor.u32 $0x4, v2;
	v3 =	vld.idx.msk [tilespmem:v3+s16+$0x0], $0xffff  }
0x15d: {  	v12 =	vld.idx.msk [tilespmem:v29+s15+$0x0], $0xffff;
	v1 =	vadd.f32 v6, v1  }
0x15e: {  	v30 =	vor.u32 $0x5, v2;
	v5 =	vld.idx.msk [tilespmem:v29+s16+$0x0], $0xffff  }
0x15f: {  	v13 =	vld.idx.msk [tilespmem:v8+s15+$0x0], $0xffff;
	v4 =	vmul.f32 v7, v4;
	v1 =	vadd.f32 v9, v1  }
0x160: {  	v32 =	vor.u32 $0x6, v2;
	v31 =	vld.idx.msk [tilespmem:v8+s16+$0x0], $0xffff  }
0x161: {  	v33 =	vld.idx.msk [tilespmem:v11+s15+$0x0], $0xffff;
	v3 =	vmul.f32 v3, v10;
	v1 =	vadd.f32 v4, v1  }
0x162: {  	v35 =	vor.u32 $0x7, v2;
	v34 =	vld.idx.msk [tilespmem:v11+s16+$0x0], $0xffff  }
0x163: {  	v36 =	vld.idx.msk [tilespmem:v30+s15+$0x0], $0xffff;
	v1 =	vadd.f32 v3, v1;
	v3 =	vmul.f32 v5, v12  }
0x164: {  	v38 =	vor.u32 $0x8, v2;
	v37 =	vld.idx.msk [tilespmem:v30+s16+$0x0], $0xffff  }
0x165: {  	v39 =	vld.idx.msk [tilespmem:v32+s15+$0x0], $0xffff;
	v1 =	vadd.f32 v3, v1;
	v3 =	vmul.f32 v31, v13  }
0x166: {  	v41 =	vor.u32 $0x9, v2;
	v40 =	vld.idx.msk [tilespmem:v32+s16+$0x0], $0xffff  }
0x167: {  	v42 =	vld.idx.msk [tilespmem:v35+s15+$0x0], $0xffff;
	v1 =	vadd.f32 v3, v1;
	v3 =	vmul.f32 v34, v33  }
0x168: {  	v44 =	vor.u32 $0xA, v2;
	v43 =	vld.idx.msk [tilespmem:v35+s16+$0x0], $0xffff  }
0x169: {  	v45 =	vld.idx.msk [tilespmem:v38+s15+$0x0], $0xffff;
	v1 =	vadd.f32 v3, v1;
	v3 =	vmul.f32 v37, v36  }
0x16a: {  	v47 =	vor.u32 $0xB, v2;
	v46 =	vld.idx.msk [tilespmem:v38+s16+$0x0], $0xffff  }
0x16b: {  	v48 =	vld.idx.msk [tilespmem:v41+s15+$0x0], $0xffff;
	v1 =	vadd.f32 v3, v1;
	v3 =	vmul.f32 v40, v39  }
0x16c: {  	v50 =	vor.u32 $0xC, v2;
	v49 =	vld.idx.msk [tilespmem:v41+s16+$0x0], $0xffff  }
0x16d: {  	v51 =	vld.idx.msk [tilespmem:v44+s15+$0x0], $0xffff;
	v1 =	vadd.f32 v3, v1;
	v3 =	vmul.f32 v43, v42  }
0x16e: {  	v53 =	vor.u32 $0xD, v2;
	v52 =	vld.idx.msk [tilespmem:v44+s16+$0x0], $0xffff  }
0x16f: {  	v54 =	vld.idx.msk [tilespmem:v47+s15+$0x0], $0xffff;
	v1 =	vadd.f32 v3, v1;
	v3 =	vmul.f32 v46, v45  }
0x170: {  	v56 =	vor.u32 $0xE, v2;
	v55 =	vld.idx.msk [tilespmem:v47+s16+$0x0], $0xffff  }
0x171: {  	v57 =	vld.idx.msk [tilespmem:v50+s15+$0x0], $0xffff;
	v1 =	vadd.f32 v3, v1;
	v3 =	vmul.f32 v49, v48  }
0x172: {  	v59 =	vor.u32 $0xF, v2;
	v58 =	vld.idx.msk [tilespmem:v50+s16+$0x0], $0xffff  }
0x173: {  	v60 =	vld.idx.msk [tilespmem:v53+s15+$0x0], $0xffff;
	v1 =	vadd.f32 v3, v1;
	v3 =	vmul.f32 v52, v51  }
0x174: {  	v62 =	vor.u32 $0x10, v2;
	v61 =	vld.idx.msk [tilespmem:v53+s16+$0x0], $0xffff  }
0x175: {  	v63 =	vld.idx.msk [tilespmem:v56+s15+$0x0], $0xffff;
	v1 =	vadd.f32 v3, v1;
	v3 =	vmul.f32 v55, v54  }
0x176: {  	v17 =	vor.u32 $0x11, v2;
	v16 =	vld.idx.msk [tilespmem:v56+s16+$0x0], $0xffff  }
0x177: {  	v18 =	vld.idx.msk [tilespmem:v59+s15+$0x0], $0xffff;
	v1 =	vadd.f32 v3, v1;
	v3 =	vmul.f32 v58, v57  }
0x178: {  	v20 =	vor.u32 $0x12, v2;
	v19 =	vld.idx.msk [tilespmem:v59+s16+$0x0], $0xffff  }
0x179: {  	v21 =	vld.idx.msk [tilespmem:v62+s15+$0x0], $0xffff;
	v1 =	vadd.f32 v3, v1;
	v3 =	vmul.f32 v61, v60  }
0x17a: {  	v23 =	vor.u32 $0x13, v2;
	v22 =	vld.idx.msk [tilespmem:v62+s16+$0x0], $0xffff  }
0x17b: {  	v24 =	vld.idx.msk [tilespmem:v17+s15+$0x0], $0xffff;
	v1 =	vadd.f32 v3, v1;
	v3 =	vmul.f32 v16, v63  }
0x17c: {  	v26 =	vor.u32 $0x14, v2;
	v25 =	vld.idx.msk [tilespmem:v17+s16+$0x0], $0xffff  }
0x17d: {  	v27 =	vld.idx.msk [tilespmem:v20+s15+$0x0], $0xffff;
	v1 =	vadd.f32 v3, v1;
	v3 =	vmul.f32 v19, v18  }
0x17e: {  	v28 =	vld.idx.msk [tilespmem:v20+s16+$0x0], $0xffff;
	v29 =	vor.u32 $0x15, v2  }
0x17f: {  	v30 =	vld.idx.msk [tilespmem:v23+s15+$0x0], $0xffff;
	v1 =	vadd.f32 v3, v1;
	v3 =	vmul.f32 v22, v21  }
0x180: {  	v32 =	vor.u32 $0x16, v2;
	v31 =	vld.idx.msk [tilespmem:v23+s16+$0x0], $0xffff  }
0x181: {  	v33 =	vld.idx.msk [tilespmem:v26+s15+$0x0], $0xffff;
	v1 =	vadd.f32 v3, v1;
	v3 =	vmul.f32 v25, v24  }
0x182: {  	v35 =	vor.u32 $0x17, v2;
	v34 =	vld.idx.msk [tilespmem:v26+s16+$0x0], $0xffff  }
0x183: {  	v36 =	vld.idx.msk [tilespmem:v29+s15+$0x0], $0xffff;
	v1 =	vadd.f32 v3, v1;
	v3 =	vmul.f32 v28, v27  }
0x184: {  	v38 =	vor.u32 $0x18, v2;
	v37 =	vld.idx.msk [tilespmem:v29+s16+$0x0], $0xffff  }
0x185: {  	v39 =	vld.idx.msk [tilespmem:v32+s15+$0x0], $0xffff;
	v1 =	vadd.f32 v3, v1;
	v3 =	vmul.f32 v31, v30  }
0x186: {  	v41 =	vor.u32 $0x19, v2;
	v40 =	vld.idx.msk [tilespmem:v32+s16+$0x0], $0xffff  }
0x187: {  	v42 =	vld.idx.msk [tilespmem:v35+s15+$0x0], $0xffff;
	v1 =	vadd.f32 v3, v1;
	v3 =	vmul.f32 v34, v33  }
0x188: {  	v44 =	vor.u32 $0x1A, v2;
	v43 =	vld.idx.msk [tilespmem:v35+s16+$0x0], $0xffff  }
0x189: {  	v45 =	vld.idx.msk [tilespmem:v38+s15+$0x0], $0xffff;
	v1 =	vadd.f32 v3, v1;
	v3 =	vmul.f32 v37, v36  }
0x18a: {  	v47 =	vor.u32 $0x1B, v2;
	v46 =	vld.idx.msk [tilespmem:v38+s16+$0x0], $0xffff  }
0x18b: {  	v48 =	vld.idx.msk [tilespmem:v41+s15+$0x0], $0xffff;
	v1 =	vadd.f32 v3, v1;
	v3 =	vmul.f32 v40, v39  }
0x18c: {  	v50 =	vor.u32 $0x1C, v2;
	v49 =	vld.idx.msk [tilespmem:v41+s16+$0x0], $0xffff  }
0x18d: {  	v51 =	vld.idx.msk [tilespmem:v44+s15+$0x0], $0xffff;
	v1 =	vadd.f32 v3, v1;
	v3 =	vmul.f32 v43, v42  }
0x18e: {  	v53 =	vor.u32 $0x1D, v2;
	v52 =	vld.idx.msk [tilespmem:v44+s16+$0x0], $0xffff  }
0x18f: {  	v54 =	vld.idx.msk [tilespmem:v47+s15+$0x0], $0xffff;
	v1 =	vadd.f32 v3, v1;
	v3 =	vmul.f32 v46, v45  }
0x190: {  	v56 =	vor.u32 $0x1E, v2;
	v55 =	vld.idx.msk [tilespmem:v47+s16+$0x0], $0xffff  }
0x191: {  	v57 =	vld.idx.msk [tilespmem:v50+s15+$0x0], $0xffff;
	v1 =	vadd.f32 v3, v1;
	v3 =	vmul.f32 v49, v48  }
0x192: {  	v2 =	vor.u32 $0x1F, v2;
	v58 =	vld.idx.msk [tilespmem:v50+s16+$0x0], $0xffff  }
0x193: {  	v59 =	vld.idx.msk [tilespmem:v53+s15+$0x0], $0xffff;
	v1 =	vadd.f32 v3, v1;
	v3 =	vmul.f32 v52, v51  }
0x194: {  	v60 =	vld.idx.msk [tilespmem:v53+s16+$0x0], $0xffff  }
0x195: {  	v62 =	vld.idx.msk [tilespmem:v56+s16+$0x0], $0xffff;
	v1 =	vadd.f32 v3, v1;
	v3 =	vmul.f32 v55, v54  }
0x196: {  	v61 =	vld.idx.msk [tilespmem:v56+s15+$0x0], $0xffff  }
0x197: {  	v63 =	vld.idx.msk [tilespmem:v2+s15+$0x0], $0xffff;
	v1 =	vadd.f32 v3, v1;
	v3 =	vmul.f32 v58, v57  }
0x198: {  	v2 =	vld.idx.msk [tilespmem:v2+s16+$0x0], $0xffff  }
0x199: {  	v1 =	vadd.f32 v3, v1;
	v3 =	vmul.f32 v60, v59;
	_ =	sdelay $0x1  }
0x19a: {  	v1 =	vadd.f32 v3, v1;
	v3 =	vmul.f32 v62, v61;
	_ =	sdelay $0x1  }
0x19b: {  	v2 =	vmul.f32 v2, v63;
	v1 =	vadd.f32 v3, v1;
	_ =	sdelay $0x1  }
0x19c: {  	s23 =	sadd.s32 $0x1, s23;
	v1 =	vadd.f32 v2, v1  }
0x19d: {  	p0 =	sne.s32 s23, s10;
	s25 =	sadd.s32 $0x10, s25  }
.Ltmp2:
0x19e: {  	[tilespmem:s25+$0x0] =	vst v1;
	(pc) =	sbr.rel @p0 .LBB2_1-.Ltmp2, $4  }
0x19f: {  	[hbm4b:s9+s2] =	stream.linear.scatter [tilespmem:s22], [sflag:$0x2], $0x200, $0x38;
	[tilespmem:$0x8C10] =	vst v63  }
0x1a0: {  	_ =	swait.ge [sflag:s11], $0x200  }
0x1a1: {  	[sflag:s11] =	ssyncset.done $0x0  }
0x1a2: {  	[sflag:s11] =	ssyncadd.s32 $0xFFFFFE00  }
0x1a3: {  	_ =	sfence.sel $0x180000  }
0x1a4: {  	[bflag:$0x0] =	sbarrier.arrive $0xFFFF  }
0x1a5: {  	_ =	strace $0x90000047  }
0x1a6: {  	s0 =	stileid.u32;
	[bflag:$0x2] =	sbarrier.arrive $0xFFFF  }
0x1a7: {  	p0 =	sne.s32 s0, $0x0;
	s0 =	rddreg [dreg:$0x4]  }
0x1a8: {  	s0 =	sadd.s32 @!p0 $0x100000, s0  }
0x1a9: {  	[sflag:s0] =	ssyncadd.tile.s32 @!p0 $0x1;
	_ =	shalt  }
.Lfunc_end2:
_tile_overlayer_lowered:
.L_overlay_start_2:
0x1aa: {  	(tag) =	ssettag $0x2  }
0x1ab: {  	s0 =	rddreg [dreg:$0x0];
	s2 =	stileid.u32  }
0x1ac: {  	s1 =	rddreg [dreg:$0x1];
	p0 =	sne.s32 s2, $0x0  }
0x1ad: {  	s3 =	rddreg [dreg:$0x2];
	[bflag:$0x3] =	sbarrier.arrive $0xFFFF;
	s2 =	simm.s32 @!p0 $0x1C02  }
0x1ae: {  	[timem:s3], [sflag:s2] =	dma.local @!p0 [hbm:s0], s1  }
0x1af: {  	s0 =	simm.s32 @!p0 $0x2  }
0x1b0: {  	_ =	swait.ge @!p0 [sflag:s0], s1  }
0x1b1: {  	s1 =	ssub.s32 @!p0 $0x0, s1;
	[sflag:s0] =	ssyncset.done @!p0 $0x0  }
0x1b2: {  	[sflag:s0] =	ssyncadd.s32 @!p0 s1  }
0x1b3: {  	[bflag:$0x3] =	sbarrier.arrive $0xFFFF  }
0x1b4: {  	_ =	shalt  }

</sc_bundles>
